<compile_context>
chip_gen: v7x
topology: tpu7x:2x2x1
jax: 0.10.2.dev20260603
libtpu: 0.0.44.dev20260713+nightly
codegen_flags: <defaults>
</compile_context>

<pallas_src>
import functools

import jax
import jax.numpy as jnp
from jax import lax
from jax.experimental import pallas as pl
from jax.experimental.pallas import tpu as pltpu
from jax.experimental.pallas import tpu_sc as plsc

_N = 10000
_E = 320000
_F = 128
_G = 64

_NC = 2
_NS = 16
_NW = _NC * _NS
_CH = 128
_CPW = 80
_NP = 10240
_RPT = _NP // _NS

_BLK = 1000
_NB = _N // _BLK


def _vector_mesh():
    return plsc.VectorSubcoreMesh(core_axis_name="c", subcore_axis_name="s")


def _sc_deg(dst_r, ones128, zeros128):

    @functools.partial(
        pl.kernel,
        out_type=jax.ShapeDtypeStruct((_NC, _NP, _F), jnp.float32),
        mesh=_vector_mesh(),
        scratch_types=[
            pltpu.VMEM((_CPW, _CH), jnp.int32),
            pltpu.VMEM((_CH, _F), jnp.float32),
            pltpu.VMEM_SHARED((_NP, _F), jnp.float32),
        ],
    )
    def k(dst_hbm, ones_hbm, z_hbm, out_hbm, didx, ones_v, acc_sh):
        cid = lax.axis_index("c")
        sid = lax.axis_index("s")
        w = sid * _NC + cid
        pltpu.sync_copy(ones_hbm, ones_v)
        pltpu.sync_copy(dst_hbm.at[w], didx)
        pltpu.sync_copy(z_hbm, acc_sh.at[pl.ds(sid * _RPT, _RPT)])
        plsc.subcore_barrier()

        @pl.loop(0, _CPW)
        def _(j):
            pltpu.sync_copy(ones_v, acc_sh.at[didx.at[j]], add=True)

        plsc.subcore_barrier()
        pltpu.sync_copy(
            acc_sh.at[pl.ds(sid * _RPT, _RPT)],
            out_hbm.at[cid, pl.ds(sid * _RPT, _RPT)],
        )

    return k(dst_r, ones128, zeros128)


def _sc_msg(hs, src_r, dst_r, zeros128):

    @functools.partial(
        pl.kernel,
        out_type=jax.ShapeDtypeStruct((_NC, _NP, _F), jnp.float32),
        mesh=_vector_mesh(),
        scratch_types=[
            pltpu.VMEM((_CPW, _CH), jnp.int32),
            pltpu.VMEM((_CPW, _CH), jnp.int32),
            pltpu.VMEM((_CH, _F), jnp.float32),
            pltpu.VMEM_SHARED((_NP, _F), jnp.float32),
        ],
    )
    def k(hs_hbm, src_hbm, dst_hbm, z_hbm, out_hbm,
          sidx, didx, rows, acc_sh):
        cid = lax.axis_index("c")
        sid = lax.axis_index("s")
        w = sid * _NC + cid
        pltpu.sync_copy(src_hbm.at[w], sidx)
        pltpu.sync_copy(dst_hbm.at[w], didx)
        pltpu.sync_copy(z_hbm, acc_sh.at[pl.ds(sid * _RPT, _RPT)])
        plsc.subcore_barrier()

        @pl.loop(0, _CPW)
        def _(j):
            pltpu.sync_copy(hs_hbm.at[sidx.at[j]], rows)
            pltpu.sync_copy(rows, acc_sh.at[didx.at[j]], add=True)

        plsc.subcore_barrier()
        pltpu.sync_copy(
            acc_sh.at[pl.ds(sid * _RPT, _RPT)],
            out_hbm.at[cid, pl.ds(sid * _RPT, _RPT)],
        )

    return k(hs, src_r, dst_r, zeros128)


def _tc_matmul(x, W):
    n, f = x.shape
    c = W.shape[1]

    def body(x_ref, w_ref, o_ref):
        o_ref[...] = jnp.dot(x_ref[...], w_ref[...],
                             preferred_element_type=jnp.float32)

    return pl.pallas_call(
        body,
        grid=(n // _BLK,),
        in_specs=[
            pl.BlockSpec((_BLK, f), lambda i: (i, 0)),
            pl.BlockSpec((f, c), lambda i: (0, 0)),
        ],
        out_specs=pl.BlockSpec((_BLK, c), lambda i: (i, 0)),
        out_shape=jax.ShapeDtypeStruct((n, c), jnp.float32),
    )(x, W)


def _tc_dis_prescale(degp, h0):

    def body(d_ref, h_ref, dis_ref, hs_ref):
        deg = d_ref[0, :, 0:1] + d_ref[1, :, 0:1] + 1.0
        dis = lax.rsqrt(deg)
        dis_ref[...] = dis
        hs_ref[...] = h_ref[...] * dis

    return pl.pallas_call(
        body,
        grid=(_NB,),
        in_specs=[
            pl.BlockSpec((2, _BLK, _F), lambda i: (0, i, 0)),
            pl.BlockSpec((_BLK, _F), lambda i: (i, 0)),
        ],
        out_specs=[
            pl.BlockSpec((_BLK, 1), lambda i: (i, 0)),
            pl.BlockSpec((_BLK, _F), lambda i: (i, 0)),
        ],
        out_shape=[
            jax.ShapeDtypeStruct((_N, 1), jnp.float32),
            jax.ShapeDtypeStruct((_NP, _F), jnp.float32),
        ],
    )(degp, h0)


def _tc_layer1_post(part, hs1, dis, b1r):

    def body(p_ref, hs_ref, dis_ref, b_ref, a_ref, st_ref):
        i = pl.program_id(0)
        z = dis_ref[...] * (p_ref[0] + p_ref[1] + hs_ref[...]) + b_ref[...]
        a = jnp.maximum(z, 0.0)
        a_ref[...] = a
        s = jnp.sum(a, axis=0, keepdims=True)
        ss = jnp.sum(a * a, axis=0, keepdims=True)
        st = jnp.concatenate([s, ss], axis=0)

        @pl.when(i == 0)
        def _():
            st_ref[...] = st

        @pl.when(i > 0)
        def _():
            st_ref[...] = st_ref[...] + st

    return pl.pallas_call(
        body,
        grid=(_NB,),
        in_specs=[
            pl.BlockSpec((2, _BLK, _F), lambda i: (0, i, 0)),
            pl.BlockSpec((_BLK, _F), lambda i: (i, 0)),
            pl.BlockSpec((_BLK, 1), lambda i: (i, 0)),
            pl.BlockSpec((1, _F), lambda i: (0, 0)),
        ],
        out_specs=[
            pl.BlockSpec((_BLK, _F), lambda i: (i, 0)),
            pl.BlockSpec((2, _F), lambda i: (0, 0)),
        ],
        out_shape=[
            jax.ShapeDtypeStruct((_N, _F), jnp.float32),
            jax.ShapeDtypeStruct((2, _F), jnp.float32),
        ],
    )(part, hs1, dis, b1r)


def _tc_bn_mm(a, stats, gr, br, dis, W2):

    def body(a_ref, st_ref, g_ref, be_ref, dis_ref, w_ref, o_ref):
        mean = st_ref[0:1, :] * (1.0 / _N)
        var = st_ref[1:2, :] * (1.0 / _N) - mean * mean
        inv = lax.rsqrt(var + 1e-5)
        h1 = (a_ref[...] - mean) * (inv * g_ref[...]) + be_ref[...]
        g = jnp.dot(h1, w_ref[...], preferred_element_type=jnp.float32)
        o_ref[...] = g * dis_ref[...]

    return pl.pallas_call(
        body,
        grid=(_NB,),
        in_specs=[
            pl.BlockSpec((_BLK, _F), lambda i: (i, 0)),
            pl.BlockSpec((2, _F), lambda i: (0, 0)),
            pl.BlockSpec((1, _F), lambda i: (0, 0)),
            pl.BlockSpec((1, _F), lambda i: (0, 0)),
            pl.BlockSpec((_BLK, 1), lambda i: (i, 0)),
            pl.BlockSpec((_F, _F), lambda i: (0, 0)),
        ],
        out_specs=pl.BlockSpec((_BLK, _F), lambda i: (i, 0)),
        out_shape=jax.ShapeDtypeStruct((_NP, _F), jnp.float32),
    )(a, stats, gr, br, dis, W2)


def _tc_final(part, hs2, dis, b2r, batch3, Wlin, blr):

    def body(p_ref, hs_ref, dis_ref, b_ref, bat_ref, wl_ref, bl_ref,
             o_ref, pool_ref, cnt_ref):
        i = pl.program_id(0)
        h2 = dis_ref[...] * (p_ref[0] + p_ref[1] + hs_ref[...]) + b_ref[...]
        seg = lax.broadcasted_iota(jnp.int32, (_G, _BLK), 0)
        oht = (bat_ref[0] == seg).astype(jnp.float32)
        psum = lax.dot_general(oht, h2, (((1,), (0,)), ((), ())),
                               preferred_element_type=jnp.float32)
        csum = lax.dot_general(oht, jnp.ones_like(h2), (((1,), (0,)), ((), ())),
                               preferred_element_type=jnp.float32)

        @pl.when(i == 0)
        def _():
            pool_ref[...] = psum
            cnt_ref[...] = csum

        @pl.when(i > 0)
        def _():
            pool_ref[...] = pool_ref[...] + psum
            cnt_ref[...] = cnt_ref[...] + csum

        @pl.when(i == _NB - 1)
        def _():
            pooled = pool_ref[...] / jnp.maximum(cnt_ref[...], 1.0)
            o_ref[...] = jnp.dot(pooled, wl_ref[...],
                                 preferred_element_type=jnp.float32) + bl_ref[...]

    return pl.pallas_call(
        body,
        grid=(_NB,),
        in_specs=[
            pl.BlockSpec((2, _BLK, _F), lambda i: (0, i, 0)),
            pl.BlockSpec((_BLK, _F), lambda i: (i, 0)),
            pl.BlockSpec((_BLK, 1), lambda i: (i, 0)),
            pl.BlockSpec((1, _F), lambda i: (0, 0)),
            pl.BlockSpec((1, 1, _BLK), lambda i: (i, 0, 0)),
            pl.BlockSpec((_F, 2), lambda i: (0, 0)),
            pl.BlockSpec((1, 2), lambda i: (0, 0)),
        ],
        out_specs=pl.BlockSpec((_G, 2), lambda i: (0, 0)),
        out_shape=jax.ShapeDtypeStruct((_G, 2), jnp.float32),
        scratch_shapes=[
            pltpu.VMEM((_G, _F), jnp.float32),
            pltpu.VMEM((_G, _F), jnp.float32),
        ],
    )(part, hs2, dis, b2r, batch3, Wlin, blr)


def kernel(x, edge_index, batch, W1, b1, gamma, beta, W2, b2, Wlin, blin):
    epw = _E // _NW
    pad = _CPW * _CH - epw
    src_r = jnp.pad(edge_index[0].reshape(_NW, epw), ((0, 0), (0, pad)),
                    constant_values=_N).reshape(_NW, _CPW, _CH)
    dst_r = jnp.pad(edge_index[1].reshape(_NW, epw), ((0, 0), (0, pad)),
                    constant_values=_N).reshape(_NW, _CPW, _CH)
    zeros128 = jnp.zeros((_RPT, _F), jnp.float32)
    ones128 = jnp.tile(
        (jnp.arange(_F, dtype=jnp.int32) == 0).astype(jnp.float32)[None, :],
        (_CH, 1))
    batch3 = batch.reshape(_NB, 1, _BLK)
    b1r = b1.reshape(1, _F)
    b2r = b2.reshape(1, _F)
    gr = gamma.reshape(1, _F)
    br = beta.reshape(1, _F)
    blr = blin.reshape(1, 2)

    degp = _sc_deg(dst_r, ones128, zeros128)
    h0 = _tc_matmul(x, W1)
    dis, hs1 = _tc_dis_prescale(degp, h0)
    part1 = _sc_msg(hs1, src_r, dst_r, zeros128)
    a, stats = _tc_layer1_post(part1, hs1, dis, b1r)
    hs2 = _tc_bn_mm(a, stats, gr, br, dis, W2)
    part2 = _sc_msg(hs2, src_r, dst_r, zeros128)
    return _tc_final(part2, hs2, dis, b2r, batch3, Wlin, blr)

# --- scband reference (transcript-rebuilt; emitter-appended) ---
"""Pipeline reference for scband-gcn-38276748541987 (READ-ONLY COPY).

The authoritative reference and input builder live on the scoring server;
editing this copy changes nothing except your own understanding.
"""

import jax, jax.numpy as jnp
import numpy as np

N = 10000
E = 320000
F = 128
C1 = 128
C2 = 128
G = 64


def setup_inputs(seed: int = 0) -> dict:
    key = jax.random.key(seed)
    ks = jax.random.split(key, 12)
    x = jax.random.normal(ks[0], (N, F), dtype=jnp.float32)
    edge_index = jax.random.randint(ks[1], (2, E), 0, N, dtype=jnp.int32)
    batch = jnp.sort(jax.random.randint(ks[2], (N,), 0, G, dtype=jnp.int32))
    W1 = jax.random.normal(ks[3], (F, C1), dtype=jnp.float32) * (1.0 / np.sqrt(F))
    b1 = jnp.zeros((C1,), dtype=jnp.float32)
    gamma = jnp.ones((C1,), dtype=jnp.float32)
    beta = jnp.zeros((C1,), dtype=jnp.float32)
    W2 = jax.random.normal(ks[4], (C1, C2), dtype=jnp.float32) * (1.0 / np.sqrt(C1))
    b2 = jnp.zeros((C2,), dtype=jnp.float32)
    Wlin = jax.random.normal(ks[5], (C2, 2), dtype=jnp.float32) * (1.0 / np.sqrt(C2))
    blin = jnp.zeros((2,), dtype=jnp.float32)
    return {"x": x, "edge_index": edge_index, "batch": batch, "W1": W1, "b1": b1,
            "gamma": gamma, "beta": beta, "W2": W2, "b2": b2, "Wlin": Wlin, "blin": blin}


def gcn_conv(x, edge_index, W, b):
    # GCNConv: D^{-1/2} (A + I) D^{-1/2} X W + b
    h = x @ W
    loop = jnp.arange(N, dtype=edge_index.dtype)
    src = jnp.concatenate([edge_index[0], loop])
    dst = jnp.concatenate([edge_index[1], loop])
    deg = jnp.zeros((N,), dtype=h.dtype).at[dst].add(1.0)
    dis = jnp.where(deg > 0, 1.0 / jnp.sqrt(jnp.maximum(deg, 1e-12)), 0.0)
    norm = dis[src] * dis[dst]
    msg = h[src] * norm[:, None]
    out = jnp.zeros((N, h.shape[1]), dtype=h.dtype).at[dst].add(msg)
    return out + b


def batch_norm(h, gamma, beta, eps=1e-5):
    mean = h.mean(axis=0)
    var = h.var(axis=0)
    return (h - mean) / jnp.sqrt(var + eps) * gamma + beta


def reference(x, edge_index, batch, W1, b1, gamma, beta, W2, b2, Wlin, blin):
    h = jax.nn.relu(gcn_conv(x, edge_index, W1, b1))
    h = batch_norm(h, gamma, beta)
    h = gcn_conv(h, edge_index, W2, b2)
    # dropout is identity at inference
    s = jax.ops.segment_sum(h, batch, num_segments=G)
    cnt = jax.ops.segment_sum(jnp.ones((N,), dtype=h.dtype), batch, num_segments=G)
    pooled = s / jnp.maximum(cnt, 1.0)[:, None]
    return pooled @ Wlin + blin

if __name__ == "__main__":
    import jax
    _d = setup_inputs()
    print(jax.jit(kernel)(*tuple(_d.values())))

</pallas_src>

<mosaic_0001>
#map = affine_map<(d0, d1) -> (0, 0)>
#map1 = affine_map<(d0, d1) -> (0, 0, 0)>
module attributes {stable_mosaic.version = 14 : i64} {
  func.func @k(%arg0: i32, %arg1: i32, %arg2: memref<10240x128xf32, #tpu.memory_space<hbm>>, %arg3: memref<32x80x128xi32, #tpu.memory_space<hbm>>, %arg4: memref<32x80x128xi32, #tpu.memory_space<hbm>>, %arg5: memref<640x128xf32, #tpu.memory_space<hbm>>, %arg6: memref<2x10240x128xf32, #tpu.memory_space<hbm>>, %arg7: memref<80x128xi32, #tpu.memory_space<vmem>>, %arg8: memref<80x128xi32, #tpu.memory_space<vmem>>, %arg9: memref<128x128xf32, #tpu.memory_space<vmem>>, %arg10: memref<10240x128xf32, #tpu.memory_space<vmem_shared>>) attributes {dimension_semantics = [#tpu.dimension_semantics<core_parallel>, #tpu.dimension_semantics<subcore_parallel>], iteration_bounds = array<i64: 2, 16>, scalar_prefetch = 0 : i64, scratch_operands = 4 : i64, tpu.core_type = #tpu.core_type<sc_vector_subcore>, window_params = [{transform_indices = #map}, {transform_indices = #map1}, {transform_indices = #map1}, {transform_indices = #map}, {transform_indices = #map1}]} {
    %mul3A = arith.constant 2 : i32
    %mul3A_0 = arith.muli %arg1, %mul3A : i32
    %add3A = arith.addi %mul3A_0, %arg0 : i32
    "tpu.region"() ({
      %run_scoped3A = tpu.sem_alloc : memref<!tpu.dma_semaphore, #tpu.memory_space<semaphore_mem>>
      %dma_start3A = arith.constant 0 : i32
      %dma_start3A_12 = arith.constant 0 : i32
      %dma_start3A_13 = tpu.memref_slice %arg3[%add3A, %dma_start3A, %dma_start3A_12] : memref<32x80x128xi32, #tpu.memory_space<hbm>> -> memref<1x80x128xi32, #tpu.memory_space<hbm>>
      %dma_start3A_14 = tpu.memref_squeeze %dma_start3A_13 : memref<1x80x128xi32, #tpu.memory_space<hbm>> -> memref<80x128xi32, #tpu.memory_space<hbm>>
      %dma_start3A_15 = arith.constant 0 : i32
      %dma_start3A_16 = arith.constant 0 : i32
      %dma_start3A_17 = tpu.memref_slice %arg3[%add3A, %dma_start3A_15, %dma_start3A_16] : memref<32x80x128xi32, #tpu.memory_space<hbm>> -> memref<1x80x128xi32, #tpu.memory_space<hbm>>
      %dma_start3A_18 = tpu.memref_squeeze %dma_start3A_17 : memref<1x80x128xi32, #tpu.memory_space<hbm>> -> memref<80x128xi32, #tpu.memory_space<hbm>>
      tpu.enqueue_dma source(%dma_start3A_18 : memref<80x128xi32, #tpu.memory_space<hbm>>) target(%arg7 : memref<80x128xi32, #tpu.memory_space<vmem>>) target_semaphore(%run_scoped3A : memref<!tpu.dma_semaphore, #tpu.memory_space<semaphore_mem>>)
      %dma_wait3A = arith.constant 0 : i32
      %dma_wait3A_19 = arith.constant 0 : i32
      %dma_wait3A_20 = tpu.memref_slice %arg3[%add3A, %dma_wait3A, %dma_wait3A_19] : memref<32x80x128xi32, #tpu.memory_space<hbm>> -> memref<1x80x128xi32, #tpu.memory_space<hbm>>
      %dma_wait3A_21 = tpu.memref_squeeze %dma_wait3A_20 : memref<1x80x128xi32, #tpu.memory_space<hbm>> -> memref<80x128xi32, #tpu.memory_space<hbm>>
      %dma_wait3A_22 = arith.constant 0 : i32
      %dma_wait3A_23 = arith.constant 0 : i32
      %dma_wait3A_24 = tpu.memref_slice %arg3[%add3A, %dma_wait3A_22, %dma_wait3A_23] : memref<32x80x128xi32, #tpu.memory_space<hbm>> -> memref<1x80x128xi32, #tpu.memory_space<hbm>>
      %dma_wait3A_25 = tpu.memref_squeeze %dma_wait3A_24 : memref<1x80x128xi32, #tpu.memory_space<hbm>> -> memref<80x128xi32, #tpu.memory_space<hbm>>
      tpu.wait_dma2 semaphore(%run_scoped3A : memref<!tpu.dma_semaphore, #tpu.memory_space<semaphore_mem>>) src(%dma_wait3A_25 : memref<80x128xi32, #tpu.memory_space<hbm>>) dst(%arg7 : memref<80x128xi32, #tpu.memory_space<vmem>>)
      tpu.yield
    }) : () -> ()
    "tpu.region"() ({
      %run_scoped3A = tpu.sem_alloc : memref<!tpu.dma_semaphore, #tpu.memory_space<semaphore_mem>>
      %dma_start3A = arith.constant 0 : i32
      %dma_start3A_12 = arith.constant 0 : i32
      %dma_start3A_13 = tpu.memref_slice %arg4[%add3A, %dma_start3A, %dma_start3A_12] : memref<32x80x128xi32, #tpu.memory_space<hbm>> -> memref<1x80x128xi32, #tpu.memory_space<hbm>>
      %dma_start3A_14 = tpu.memref_squeeze %dma_start3A_13 : memref<1x80x128xi32, #tpu.memory_space<hbm>> -> memref<80x128xi32, #tpu.memory_space<hbm>>
      %dma_start3A_15 = arith.constant 0 : i32
      %dma_start3A_16 = arith.constant 0 : i32
      %dma_start3A_17 = tpu.memref_slice %arg4[%add3A, %dma_start3A_15, %dma_start3A_16] : memref<32x80x128xi32, #tpu.memory_space<hbm>> -> memref<1x80x128xi32, #tpu.memory_space<hbm>>
      %dma_start3A_18 = tpu.memref_squeeze %dma_start3A_17 : memref<1x80x128xi32, #tpu.memory_space<hbm>> -> memref<80x128xi32, #tpu.memory_space<hbm>>
      tpu.enqueue_dma source(%dma_start3A_18 : memref<80x128xi32, #tpu.memory_space<hbm>>) target(%arg8 : memref<80x128xi32, #tpu.memory_space<vmem>>) target_semaphore(%run_scoped3A : memref<!tpu.dma_semaphore, #tpu.memory_space<semaphore_mem>>)
      %dma_wait3A = arith.constant 0 : i32
      %dma_wait3A_19 = arith.constant 0 : i32
      %dma_wait3A_20 = tpu.memref_slice %arg4[%add3A, %dma_wait3A, %dma_wait3A_19] : memref<32x80x128xi32, #tpu.memory_space<hbm>> -> memref<1x80x128xi32, #tpu.memory_space<hbm>>
      %dma_wait3A_21 = tpu.memref_squeeze %dma_wait3A_20 : memref<1x80x128xi32, #tpu.memory_space<hbm>> -> memref<80x128xi32, #tpu.memory_space<hbm>>
      %dma_wait3A_22 = arith.constant 0 : i32
      %dma_wait3A_23 = arith.constant 0 : i32
      %dma_wait3A_24 = tpu.memref_slice %arg4[%add3A, %dma_wait3A_22, %dma_wait3A_23] : memref<32x80x128xi32, #tpu.memory_space<hbm>> -> memref<1x80x128xi32, #tpu.memory_space<hbm>>
      %dma_wait3A_25 = tpu.memref_squeeze %dma_wait3A_24 : memref<1x80x128xi32, #tpu.memory_space<hbm>> -> memref<80x128xi32, #tpu.memory_space<hbm>>
      tpu.wait_dma2 semaphore(%run_scoped3A : memref<!tpu.dma_semaphore, #tpu.memory_space<semaphore_mem>>) src(%dma_wait3A_25 : memref<80x128xi32, #tpu.memory_space<hbm>>) dst(%arg8 : memref<80x128xi32, #tpu.memory_space<vmem>>)
      tpu.yield
    }) : () -> ()
    %mul3A_1 = arith.constant 640 : i32
    %mul3A_2 = arith.muli %arg1, %mul3A_1 : i32
    "tpu.region"() ({
      %run_scoped3A = tpu.sem_alloc : memref<!tpu.dma_semaphore, #tpu.memory_space<semaphore_mem>>
      %dma_start3A = arith.constant 0 : i32
      %dma_start3A_12 = tpu.memref_slice %arg10[%mul3A_2, %dma_start3A] : memref<10240x128xf32, #tpu.memory_space<vmem_shared>> -> memref<640x128xf32, #tpu.memory_space<vmem_shared>>
      tpu.enqueue_dma source(%arg5 : memref<640x128xf32, #tpu.memory_space<hbm>>) target(%dma_start3A_12 : memref<640x128xf32, #tpu.memory_space<vmem_shared>>) target_semaphore(%run_scoped3A : memref<!tpu.dma_semaphore, #tpu.memory_space<semaphore_mem>>)
      %dma_wait3A = arith.constant 0 : i32
      %dma_wait3A_13 = tpu.memref_slice %arg10[%mul3A_2, %dma_wait3A] : memref<10240x128xf32, #tpu.memory_space<vmem_shared>> -> memref<640x128xf32, #tpu.memory_space<vmem_shared>>
      tpu.wait_dma2 semaphore(%run_scoped3A : memref<!tpu.dma_semaphore, #tpu.memory_space<semaphore_mem>>) src(%arg5 : memref<640x128xf32, #tpu.memory_space<hbm>>) dst(%dma_wait3A_13 : memref<640x128xf32, #tpu.memory_space<vmem_shared>>)
      tpu.yield
    }) : () -> ()
    %barrier3A = arith.constant 0 : index
    tpu.barrier barrier_id(%barrier3A)
    %scan3A = arith.constant 0 : i32
    %scan3A_3 = arith.constant 80 : i32
    %scan3A_4 = arith.addi %scan3A, %scan3A_3 : i32
    %scan3A_5 = arith.constant 1 : i32
    scf.for %scan3A_12 = %scan3A to %scan3A_4 step %scan3A_5  : i32 {
      %mul3A_13 = arith.constant 1 : i32
      %mul3A_14 = arith.muli %scan3A_12, %mul3A_13 : i32
      %add3A_15 = arith.constant 0 : i32
      %add3A_16 = arith.addi %add3A_15, %mul3A_14 : i32
      "tpu.region"() ({
        %run_scoped3A = tpu.sem_alloc : memref<!tpu.dma_semaphore, #tpu.memory_space<semaphore_mem>>
        %dma_start3A = arith.constant 0 : i32
        %dma_start3A_17 = tpu.memref_slice %arg7[%add3A_16, %dma_start3A] : memref<80x128xi32, #tpu.memory_space<vmem>> -> memref<1x128xi32, #tpu.memory_space<vmem>>
        %dma_start3A_18 = tpu.memref_squeeze %dma_start3A_17 : memref<1x128xi32, #tpu.memory_space<vmem>> -> memref<128xi32, #tpu.memory_space<vmem>>
        %dma_start3A_19 = arith.constant 0 : i32
        %dma_start3A_20 = arith.constant 0 : i32
        %dma_start3A_21 = tpu.memref_slice %arg2[%dma_start3A_19, %dma_start3A_20] : memref<10240x128xf32, #tpu.memory_space<hbm>> -> memref<10240x128xf32, #tpu.memory_space<hbm>>
        tpu.enqueue_indirect_dma source(%dma_start3A_21 : memref<10240x128xf32, #tpu.memory_space<hbm>>) target(%arg9 : memref<128x128xf32, #tpu.memory_space<vmem>>) offsets(%dma_start3A_18 : memref<128xi32, #tpu.memory_space<vmem>>) semaphore(%run_scoped3A : memref<!tpu.dma_semaphore, #tpu.memory_space<semaphore_mem>>)
        %dma_wait3A = arith.constant 0 : i32
        %dma_wait3A_22 = tpu.memref_slice %arg7[%add3A_16, %dma_wait3A] : memref<80x128xi32, #tpu.memory_space<vmem>> -> memref<1x128xi32, #tpu.memory_space<vmem>>
        %dma_wait3A_23 = tpu.memref_squeeze %dma_wait3A_22 : memref<1x128xi32, #tpu.memory_space<vmem>> -> memref<128xi32, #tpu.memory_space<vmem>>
        %dma_wait3A_24 = arith.constant 0 : i32
        %dma_wait3A_25 = arith.constant 0 : i32
        %dma_wait3A_26 = tpu.memref_slice %arg2[%dma_wait3A_24, %dma_wait3A_25] : memref<10240x128xf32, #tpu.memory_space<hbm>> -> memref<10240x128xf32, #tpu.memory_space<hbm>>
        tpu.wait_indirect_dma semaphore(%run_scoped3A : memref<!tpu.dma_semaphore, #tpu.memory_space<semaphore_mem>>) src(%dma_wait3A_26 : memref<10240x128xf32, #tpu.memory_space<hbm>>) dst(%arg9 : memref<128x128xf32, #tpu.memory_space<vmem>>)
        tpu.yield
      }) : () -> ()
      "tpu.region"() ({
        %run_scoped3A = tpu.sem_alloc : memref<!tpu.dma_semaphore, #tpu.memory_space<semaphore_mem>>
        %dma_start3A = arith.constant 0 : i32
        %dma_start3A_17 = tpu.memref_slice %arg8[%add3A_16, %dma_start3A] : memref<80x128xi32, #tpu.memory_space<vmem>> -> memref<1x128xi32, #tpu.memory_space<vmem>>
        %dma_start3A_18 = tpu.memref_squeeze %dma_start3A_17 : memref<1x128xi32, #tpu.memory_space<vmem>> -> memref<128xi32, #tpu.memory_space<vmem>>
        %dma_start3A_19 = arith.constant 0 : i32
        %dma_start3A_20 = arith.constant 0 : i32
        %dma_start3A_21 = tpu.memref_slice %arg10[%dma_start3A_19, %dma_start3A_20] : memref<10240x128xf32, #tpu.memory_space<vmem_shared>> -> memref<10240x128xf32, #tpu.memory_space<vmem_shared>>
        tpu.enqueue_indirect_dma source(%arg9 : memref<128x128xf32, #tpu.memory_space<vmem>>) target(%dma_start3A_21 : memref<10240x128xf32, #tpu.memory_space<vmem_shared>>) offsets(%dma_start3A_18 : memref<128xi32, #tpu.memory_space<vmem>>) semaphore(%run_scoped3A : memref<!tpu.dma_semaphore, #tpu.memory_space<semaphore_mem>>) {add = true}
        %dma_wait3A = arith.constant 0 : i32
        %dma_wait3A_22 = tpu.memref_slice %arg8[%add3A_16, %dma_wait3A] : memref<80x128xi32, #tpu.memory_space<vmem>> -> memref<1x128xi32, #tpu.memory_space<vmem>>
        %dma_wait3A_23 = tpu.memref_squeeze %dma_wait3A_22 : memref<1x128xi32, #tpu.memory_space<vmem>> -> memref<128xi32, #tpu.memory_space<vmem>>
        %dma_wait3A_24 = arith.constant 0 : i32
        %dma_wait3A_25 = arith.constant 0 : i32
        %dma_wait3A_26 = tpu.memref_slice %arg10[%dma_wait3A_24, %dma_wait3A_25] : memref<10240x128xf32, #tpu.memory_space<vmem_shared>> -> memref<10240x128xf32, #tpu.memory_space<vmem_shared>>
        tpu.wait_indirect_dma semaphore(%run_scoped3A : memref<!tpu.dma_semaphore, #tpu.memory_space<semaphore_mem>>) src(%arg9 : memref<128x128xf32, #tpu.memory_space<vmem>>) dst(%dma_wait3A_26 : memref<10240x128xf32, #tpu.memory_space<vmem_shared>>)
        tpu.yield
      }) : () -> ()
    }
    %scan3A_6 = arith.constant 80 : i32
    %barrier3A_7 = arith.constant 0 : index
    tpu.barrier barrier_id(%barrier3A_7)
    %mul3A_8 = arith.constant 640 : i32
    %mul3A_9 = arith.muli %arg1, %mul3A_8 : i32
    %mul3A_10 = arith.constant 640 : i32
    %mul3A_11 = arith.muli %arg1, %mul3A_10 : i32
    "tpu.region"() ({
      %run_scoped3A = tpu.sem_alloc : memref<!tpu.dma_semaphore, #tpu.memory_space<semaphore_mem>>
      %dma_start3A = arith.constant 0 : i32
      %dma_start3A_12 = tpu.memref_slice %arg6[%arg0, %mul3A_11, %dma_start3A] : memref<2x10240x128xf32, #tpu.memory_space<hbm>> -> memref<1x640x128xf32, #tpu.memory_space<hbm>>
      %dma_start3A_13 = tpu.memref_squeeze %dma_start3A_12 : memref<1x640x128xf32, #tpu.memory_space<hbm>> -> memref<640x128xf32, #tpu.memory_space<hbm>>
      %dma_start3A_14 = arith.constant 0 : i32
      %dma_start3A_15 = tpu.memref_slice %arg10[%mul3A_9, %dma_start3A_14] : memref<10240x128xf32, #tpu.memory_space<vmem_shared>> -> memref<640x128xf32, #tpu.memory_space<vmem_shared>>
      tpu.enqueue_dma source(%dma_start3A_15 : memref<640x128xf32, #tpu.memory_space<vmem_shared>>) target(%dma_start3A_13 : memref<640x128xf32, #tpu.memory_space<hbm>>) target_semaphore(%run_scoped3A : memref<!tpu.dma_semaphore, #tpu.memory_space<semaphore_mem>>)
      %dma_wait3A = arith.constant 0 : i32
      %dma_wait3A_16 = tpu.memref_slice %arg6[%arg0, %mul3A_11, %dma_wait3A] : memref<2x10240x128xf32, #tpu.memory_space<hbm>> -> memref<1x640x128xf32, #tpu.memory_space<hbm>>
      %dma_wait3A_17 = tpu.memref_squeeze %dma_wait3A_16 : memref<1x640x128xf32, #tpu.memory_space<hbm>> -> memref<640x128xf32, #tpu.memory_space<hbm>>
      %dma_wait3A_18 = arith.constant 0 : i32
      %dma_wait3A_19 = tpu.memref_slice %arg10[%mul3A_9, %dma_wait3A_18] : memref<10240x128xf32, #tpu.memory_space<vmem_shared>> -> memref<640x128xf32, #tpu.memory_space<vmem_shared>>
      tpu.wait_dma2 semaphore(%run_scoped3A : memref<!tpu.dma_semaphore, #tpu.memory_space<semaphore_mem>>) src(%dma_wait3A_19 : memref<640x128xf32, #tpu.memory_space<vmem_shared>>) dst(%dma_wait3A_17 : memref<640x128xf32, #tpu.memory_space<hbm>>)
      tpu.yield
    }) : () -> ()
    return
  }
}

#map = affine_map<(d0, d1) -> (0, 0, 0)>
#map1 = affine_map<(d0, d1) -> (0, 0)>
module attributes {stable_mosaic.version = 14 : i64} {
  func.func @k(%arg0: i32, %arg1: i32, %arg2: memref<32x80x128xi32, #tpu.memory_space<hbm>>, %arg3: memref<128x128xf32, #tpu.memory_space<hbm>>, %arg4: memref<640x128xf32, #tpu.memory_space<hbm>>, %arg5: memref<2x10240x128xf32, #tpu.memory_space<hbm>>, %arg6: memref<80x128xi32, #tpu.memory_space<vmem>>, %arg7: memref<128x128xf32, #tpu.memory_space<vmem>>, %arg8: memref<10240x128xf32, #tpu.memory_space<vmem_shared>>) attributes {dimension_semantics = [#tpu.dimension_semantics<core_parallel>, #tpu.dimension_semantics<subcore_parallel>], iteration_bounds = array<i64: 2, 16>, scalar_prefetch = 0 : i64, scratch_operands = 3 : i64, tpu.core_type = #tpu.core_type<sc_vector_subcore>, window_params = [{transform_indices = #map}, {transform_indices = #map1}, {transform_indices = #map1}, {transform_indices = #map}]} {
    %mul3A = arith.constant 2 : i32
    %mul3A_0 = arith.muli %arg1, %mul3A : i32
    %add3A = arith.addi %mul3A_0, %arg0 : i32
    "tpu.region"() ({
      %run_scoped3A = tpu.sem_alloc : memref<!tpu.dma_semaphore, #tpu.memory_space<semaphore_mem>>
      tpu.enqueue_dma source(%arg3 : memref<128x128xf32, #tpu.memory_space<hbm>>) target(%arg7 : memref<128x128xf32, #tpu.memory_space<vmem>>) target_semaphore(%run_scoped3A : memref<!tpu.dma_semaphore, #tpu.memory_space<semaphore_mem>>)
      tpu.wait_dma2 semaphore(%run_scoped3A : memref<!tpu.dma_semaphore, #tpu.memory_space<semaphore_mem>>) src(%arg3 : memref<128x128xf32, #tpu.memory_space<hbm>>) dst(%arg7 : memref<128x128xf32, #tpu.memory_space<vmem>>)
      tpu.yield
    }) : () -> ()
    "tpu.region"() ({
      %run_scoped3A = tpu.sem_alloc : memref<!tpu.dma_semaphore, #tpu.memory_space<semaphore_mem>>
      %dma_start3A = arith.constant 0 : i32
      %dma_start3A_12 = arith.constant 0 : i32
      %dma_start3A_13 = tpu.memref_slice %arg2[%add3A, %dma_start3A, %dma_start3A_12] : memref<32x80x128xi32, #tpu.memory_space<hbm>> -> memref<1x80x128xi32, #tpu.memory_space<hbm>>
      %dma_start3A_14 = tpu.memref_squeeze %dma_start3A_13 : memref<1x80x128xi32, #tpu.memory_space<hbm>> -> memref<80x128xi32, #tpu.memory_space<hbm>>
      %dma_start3A_15 = arith.constant 0 : i32
      %dma_start3A_16 = arith.constant 0 : i32
      %dma_start3A_17 = tpu.memref_slice %arg2[%add3A, %dma_start3A_15, %dma_start3A_16] : memref<32x80x128xi32, #tpu.memory_space<hbm>> -> memref<1x80x128xi32, #tpu.memory_space<hbm>>
      %dma_start3A_18 = tpu.memref_squeeze %dma_start3A_17 : memref<1x80x128xi32, #tpu.memory_space<hbm>> -> memref<80x128xi32, #tpu.memory_space<hbm>>
      tpu.enqueue_dma source(%dma_start3A_18 : memref<80x128xi32, #tpu.memory_space<hbm>>) target(%arg6 : memref<80x128xi32, #tpu.memory_space<vmem>>) target_semaphore(%run_scoped3A : memref<!tpu.dma_semaphore, #tpu.memory_space<semaphore_mem>>)
      %dma_wait3A = arith.constant 0 : i32
      %dma_wait3A_19 = arith.constant 0 : i32
      %dma_wait3A_20 = tpu.memref_slice %arg2[%add3A, %dma_wait3A, %dma_wait3A_19] : memref<32x80x128xi32, #tpu.memory_space<hbm>> -> memref<1x80x128xi32, #tpu.memory_space<hbm>>
      %dma_wait3A_21 = tpu.memref_squeeze %dma_wait3A_20 : memref<1x80x128xi32, #tpu.memory_space<hbm>> -> memref<80x128xi32, #tpu.memory_space<hbm>>
      %dma_wait3A_22 = arith.constant 0 : i32
      %dma_wait3A_23 = arith.constant 0 : i32
      %dma_wait3A_24 = tpu.memref_slice %arg2[%add3A, %dma_wait3A_22, %dma_wait3A_23] : memref<32x80x128xi32, #tpu.memory_space<hbm>> -> memref<1x80x128xi32, #tpu.memory_space<hbm>>
      %dma_wait3A_25 = tpu.memref_squeeze %dma_wait3A_24 : memref<1x80x128xi32, #tpu.memory_space<hbm>> -> memref<80x128xi32, #tpu.memory_space<hbm>>
      tpu.wait_dma2 semaphore(%run_scoped3A : memref<!tpu.dma_semaphore, #tpu.memory_space<semaphore_mem>>) src(%dma_wait3A_25 : memref<80x128xi32, #tpu.memory_space<hbm>>) dst(%arg6 : memref<80x128xi32, #tpu.memory_space<vmem>>)
      tpu.yield
    }) : () -> ()
    %mul3A_1 = arith.constant 640 : i32
    %mul3A_2 = arith.muli %arg1, %mul3A_1 : i32
    "tpu.region"() ({
      %run_scoped3A = tpu.sem_alloc : memref<!tpu.dma_semaphore, #tpu.memory_space<semaphore_mem>>
      %dma_start3A = arith.constant 0 : i32
      %dma_start3A_12 = tpu.memref_slice %arg8[%mul3A_2, %dma_start3A] : memref<10240x128xf32, #tpu.memory_space<vmem_shared>> -> memref<640x128xf32, #tpu.memory_space<vmem_shared>>
      tpu.enqueue_dma source(%arg4 : memref<640x128xf32, #tpu.memory_space<hbm>>) target(%dma_start3A_12 : memref<640x128xf32, #tpu.memory_space<vmem_shared>>) target_semaphore(%run_scoped3A : memref<!tpu.dma_semaphore, #tpu.memory_space<semaphore_mem>>)
      %dma_wait3A = arith.constant 0 : i32
      %dma_wait3A_13 = tpu.memref_slice %arg8[%mul3A_2, %dma_wait3A] : memref<10240x128xf32, #tpu.memory_space<vmem_shared>> -> memref<640x128xf32, #tpu.memory_space<vmem_shared>>
      tpu.wait_dma2 semaphore(%run_scoped3A : memref<!tpu.dma_semaphore, #tpu.memory_space<semaphore_mem>>) src(%arg4 : memref<640x128xf32, #tpu.memory_space<hbm>>) dst(%dma_wait3A_13 : memref<640x128xf32, #tpu.memory_space<vmem_shared>>)
      tpu.yield
    }) : () -> ()
    %barrier3A = arith.constant 0 : index
    tpu.barrier barrier_id(%barrier3A)
    %scan3A = arith.constant 0 : i32
    %scan3A_3 = arith.constant 80 : i32
    %scan3A_4 = arith.addi %scan3A, %scan3A_3 : i32
    %scan3A_5 = arith.constant 1 : i32
    scf.for %scan3A_12 = %scan3A to %scan3A_4 step %scan3A_5  : i32 {
      %mul3A_13 = arith.constant 1 : i32
      %mul3A_14 = arith.muli %scan3A_12, %mul3A_13 : i32
      %add3A_15 = arith.constant 0 : i32
      %add3A_16 = arith.addi %add3A_15, %mul3A_14 : i32
      "tpu.region"() ({
        %run_scoped3A = tpu.sem_alloc : memref<!tpu.dma_semaphore, #tpu.memory_space<semaphore_mem>>
        %dma_start3A = arith.constant 0 : i32
        %dma_start3A_17 = tpu.memref_slice %arg6[%add3A_16, %dma_start3A] : memref<80x128xi32, #tpu.memory_space<vmem>> -> memref<1x128xi32, #tpu.memory_space<vmem>>
        %dma_start3A_18 = tpu.memref_squeeze %dma_start3A_17 : memref<1x128xi32, #tpu.memory_space<vmem>> -> memref<128xi32, #tpu.memory_space<vmem>>
        %dma_start3A_19 = arith.constant 0 : i32
        %dma_start3A_20 = arith.constant 0 : i32
        %dma_start3A_21 = tpu.memref_slice %arg8[%dma_start3A_19, %dma_start3A_20] : memref<10240x128xf32, #tpu.memory_space<vmem_shared>> -> memref<10240x128xf32, #tpu.memory_space<vmem_shared>>
        tpu.enqueue_indirect_dma source(%arg7 : memref<128x128xf32, #tpu.memory_space<vmem>>) target(%dma_start3A_21 : memref<10240x128xf32, #tpu.memory_space<vmem_shared>>) offsets(%dma_start3A_18 : memref<128xi32, #tpu.memory_space<vmem>>) semaphore(%run_scoped3A : memref<!tpu.dma_semaphore, #tpu.memory_space<semaphore_mem>>) {add = true}
        %dma_wait3A = arith.constant 0 : i32
        %dma_wait3A_22 = tpu.memref_slice %arg6[%add3A_16, %dma_wait3A] : memref<80x128xi32, #tpu.memory_space<vmem>> -> memref<1x128xi32, #tpu.memory_space<vmem>>
        %dma_wait3A_23 = tpu.memref_squeeze %dma_wait3A_22 : memref<1x128xi32, #tpu.memory_space<vmem>> -> memref<128xi32, #tpu.memory_space<vmem>>
        %dma_wait3A_24 = arith.constant 0 : i32
        %dma_wait3A_25 = arith.constant 0 : i32
        %dma_wait3A_26 = tpu.memref_slice %arg8[%dma_wait3A_24, %dma_wait3A_25] : memref<10240x128xf32, #tpu.memory_space<vmem_shared>> -> memref<10240x128xf32, #tpu.memory_space<vmem_shared>>
        tpu.wait_indirect_dma semaphore(%run_scoped3A : memref<!tpu.dma_semaphore, #tpu.memory_space<semaphore_mem>>) src(%arg7 : memref<128x128xf32, #tpu.memory_space<vmem>>) dst(%dma_wait3A_26 : memref<10240x128xf32, #tpu.memory_space<vmem_shared>>)
        tpu.yield
      }) : () -> ()
    }
    %scan3A_6 = arith.constant 80 : i32
    %barrier3A_7 = arith.constant 0 : index
    tpu.barrier barrier_id(%barrier3A_7)
    %mul3A_8 = arith.constant 640 : i32
    %mul3A_9 = arith.muli %arg1, %mul3A_8 : i32
    %mul3A_10 = arith.constant 640 : i32
    %mul3A_11 = arith.muli %arg1, %mul3A_10 : i32
    "tpu.region"() ({
      %run_scoped3A = tpu.sem_alloc : memref<!tpu.dma_semaphore, #tpu.memory_space<semaphore_mem>>
      %dma_start3A = arith.constant 0 : i32
      %dma_start3A_12 = tpu.memref_slice %arg5[%arg0, %mul3A_11, %dma_start3A] : memref<2x10240x128xf32, #tpu.memory_space<hbm>> -> memref<1x640x128xf32, #tpu.memory_space<hbm>>
      %dma_start3A_13 = tpu.memref_squeeze %dma_start3A_12 : memref<1x640x128xf32, #tpu.memory_space<hbm>> -> memref<640x128xf32, #tpu.memory_space<hbm>>
      %dma_start3A_14 = arith.constant 0 : i32
      %dma_start3A_15 = tpu.memref_slice %arg8[%mul3A_9, %dma_start3A_14] : memref<10240x128xf32, #tpu.memory_space<vmem_shared>> -> memref<640x128xf32, #tpu.memory_space<vmem_shared>>
      tpu.enqueue_dma source(%dma_start3A_15 : memref<640x128xf32, #tpu.memory_space<vmem_shared>>) target(%dma_start3A_13 : memref<640x128xf32, #tpu.memory_space<hbm>>) target_semaphore(%run_scoped3A : memref<!tpu.dma_semaphore, #tpu.memory_space<semaphore_mem>>)
      %dma_wait3A = arith.constant 0 : i32
      %dma_wait3A_16 = tpu.memref_slice %arg5[%arg0, %mul3A_11, %dma_wait3A] : memref<2x10240x128xf32, #tpu.memory_space<hbm>> -> memref<1x640x128xf32, #tpu.memory_space<hbm>>
      %dma_wait3A_17 = tpu.memref_squeeze %dma_wait3A_16 : memref<1x640x128xf32, #tpu.memory_space<hbm>> -> memref<640x128xf32, #tpu.memory_space<hbm>>
      %dma_wait3A_18 = arith.constant 0 : i32
      %dma_wait3A_19 = tpu.memref_slice %arg8[%mul3A_9, %dma_wait3A_18] : memref<10240x128xf32, #tpu.memory_space<vmem_shared>> -> memref<640x128xf32, #tpu.memory_space<vmem_shared>>
      tpu.wait_dma2 semaphore(%run_scoped3A : memref<!tpu.dma_semaphore, #tpu.memory_space<semaphore_mem>>) src(%dma_wait3A_19 : memref<640x128xf32, #tpu.memory_space<vmem_shared>>) dst(%dma_wait3A_17 : memref<640x128xf32, #tpu.memory_space<hbm>>)
      tpu.yield
    }) : () -> ()
    return
  }
}

#map = affine_map<(d0, d1) -> (0, 0)>
#map1 = affine_map<(d0, d1) -> (0, 0, 0)>
module attributes {stable_mosaic.version = 14 : i64} {
  func.func @k(%arg0: i32, %arg1: i32, %arg2: memref<10240x128xf32, #tpu.memory_space<hbm>>, %arg3: memref<32x80x128xi32, #tpu.memory_space<hbm>>, %arg4: memref<32x80x128xi32, #tpu.memory_space<hbm>>, %arg5: memref<640x128xf32, #tpu.memory_space<hbm>>, %arg6: memref<2x10240x128xf32, #tpu.memory_space<hbm>>, %arg7: memref<80x128xi32, #tpu.memory_space<vmem>>, %arg8: memref<80x128xi32, #tpu.memory_space<vmem>>, %arg9: memref<128x128xf32, #tpu.memory_space<vmem>>, %arg10: memref<10240x128xf32, #tpu.memory_space<vmem_shared>>) attributes {dimension_semantics = [#tpu.dimension_semantics<core_parallel>, #tpu.dimension_semantics<subcore_parallel>], iteration_bounds = array<i64: 2, 16>, scalar_prefetch = 0 : i64, scratch_operands = 4 : i64, tpu.core_type = #tpu.core_type<sc_vector_subcore>, window_params = [{transform_indices = #map}, {transform_indices = #map1}, {transform_indices = #map1}, {transform_indices = #map}, {transform_indices = #map1}]} {
    %mul3A = arith.constant 2 : i32
    %mul3A_0 = arith.muli %arg1, %mul3A : i32
    %add3A = arith.addi %mul3A_0, %arg0 : i32
    "tpu.region"() ({
      %run_scoped3A = tpu.sem_alloc : memref<!tpu.dma_semaphore, #tpu.memory_space<semaphore_mem>>
      %dma_start3A = arith.constant 0 : i32
      %dma_start3A_12 = arith.constant 0 : i32
      %dma_start3A_13 = tpu.memref_slice %arg3[%add3A, %dma_start3A, %dma_start3A_12] : memref<32x80x128xi32, #tpu.memory_space<hbm>> -> memref<1x80x128xi32, #tpu.memory_space<hbm>>
      %dma_start3A_14 = tpu.memref_squeeze %dma_start3A_13 : memref<1x80x128xi32, #tpu.memory_space<hbm>> -> memref<80x128xi32, #tpu.memory_space<hbm>>
      %dma_start3A_15 = arith.constant 0 : i32
      %dma_start3A_16 = arith.constant 0 : i32
      %dma_start3A_17 = tpu.memref_slice %arg3[%add3A, %dma_start3A_15, %dma_start3A_16] : memref<32x80x128xi32, #tpu.memory_space<hbm>> -> memref<1x80x128xi32, #tpu.memory_space<hbm>>
      %dma_start3A_18 = tpu.memref_squeeze %dma_start3A_17 : memref<1x80x128xi32, #tpu.memory_space<hbm>> -> memref<80x128xi32, #tpu.memory_space<hbm>>
      tpu.enqueue_dma source(%dma_start3A_18 : memref<80x128xi32, #tpu.memory_space<hbm>>) target(%arg7 : memref<80x128xi32, #tpu.memory_space<vmem>>) target_semaphore(%run_scoped3A : memref<!tpu.dma_semaphore, #tpu.memory_space<semaphore_mem>>)
      %dma_wait3A = arith.constant 0 : i32
      %dma_wait3A_19 = arith.constant 0 : i32
      %dma_wait3A_20 = tpu.memref_slice %arg3[%add3A, %dma_wait3A, %dma_wait3A_19] : memref<32x80x128xi32, #tpu.memory_space<hbm>> -> memref<1x80x128xi32, #tpu.memory_space<hbm>>
      %dma_wait3A_21 = tpu.memref_squeeze %dma_wait3A_20 : memref<1x80x128xi32, #tpu.memory_space<hbm>> -> memref<80x128xi32, #tpu.memory_space<hbm>>
      %dma_wait3A_22 = arith.constant 0 : i32
      %dma_wait3A_23 = arith.constant 0 : i32
      %dma_wait3A_24 = tpu.memref_slice %arg3[%add3A, %dma_wait3A_22, %dma_wait3A_23] : memref<32x80x128xi32, #tpu.memory_space<hbm>> -> memref<1x80x128xi32, #tpu.memory_space<hbm>>
      %dma_wait3A_25 = tpu.memref_squeeze %dma_wait3A_24 : memref<1x80x128xi32, #tpu.memory_space<hbm>> -> memref<80x128xi32, #tpu.memory_space<hbm>>
      tpu.wait_dma2 semaphore(%run_scoped3A : memref<!tpu.dma_semaphore, #tpu.memory_space<semaphore_mem>>) src(%dma_wait3A_25 : memref<80x128xi32, #tpu.memory_space<hbm>>) dst(%arg7 : memref<80x128xi32, #tpu.memory_space<vmem>>)
      tpu.yield
    }) : () -> ()
    "tpu.region"() ({
      %run_scoped3A = tpu.sem_alloc : memref<!tpu.dma_semaphore, #tpu.memory_space<semaphore_mem>>
      %dma_start3A = arith.constant 0 : i32
      %dma_start3A_12 = arith.constant 0 : i32
      %dma_start3A_13 = tpu.memref_slice %arg4[%add3A, %dma_start3A, %dma_start3A_12] : memref<32x80x128xi32, #tpu.memory_space<hbm>> -> memref<1x80x128xi32, #tpu.memory_space<hbm>>
      %dma_start3A_14 = tpu.memref_squeeze %dma_start3A_13 : memref<1x80x128xi32, #tpu.memory_space<hbm>> -> memref<80x128xi32, #tpu.memory_space<hbm>>
      %dma_start3A_15 = arith.constant 0 : i32
      %dma_start3A_16 = arith.constant 0 : i32
      %dma_start3A_17 = tpu.memref_slice %arg4[%add3A, %dma_start3A_15, %dma_start3A_16] : memref<32x80x128xi32, #tpu.memory_space<hbm>> -> memref<1x80x128xi32, #tpu.memory_space<hbm>>
      %dma_start3A_18 = tpu.memref_squeeze %dma_start3A_17 : memref<1x80x128xi32, #tpu.memory_space<hbm>> -> memref<80x128xi32, #tpu.memory_space<hbm>>
      tpu.enqueue_dma source(%dma_start3A_18 : memref<80x128xi32, #tpu.memory_space<hbm>>) target(%arg8 : memref<80x128xi32, #tpu.memory_space<vmem>>) target_semaphore(%run_scoped3A : memref<!tpu.dma_semaphore, #tpu.memory_space<semaphore_mem>>)
      %dma_wait3A = arith.constant 0 : i32
      %dma_wait3A_19 = arith.constant 0 : i32
      %dma_wait3A_20 = tpu.memref_slice %arg4[%add3A, %dma_wait3A, %dma_wait3A_19] : memref<32x80x128xi32, #tpu.memory_space<hbm>> -> memref<1x80x128xi32, #tpu.memory_space<hbm>>
      %dma_wait3A_21 = tpu.memref_squeeze %dma_wait3A_20 : memref<1x80x128xi32, #tpu.memory_space<hbm>> -> memref<80x128xi32, #tpu.memory_space<hbm>>
      %dma_wait3A_22 = arith.constant 0 : i32
      %dma_wait3A_23 = arith.constant 0 : i32
      %dma_wait3A_24 = tpu.memref_slice %arg4[%add3A, %dma_wait3A_22, %dma_wait3A_23] : memref<32x80x128xi32, #tpu.memory_space<hbm>> -> memref<1x80x128xi32, #tpu.memory_space<hbm>>
      %dma_wait3A_25 = tpu.memref_squeeze %dma_wait3A_24 : memref<1x80x128xi32, #tpu.memory_space<hbm>> -> memref<80x128xi32, #tpu.memory_space<hbm>>
      tpu.wait_dma2 semaphore(%run_scoped3A : memref<!tpu.dma_semaphore, #tpu.memory_space<semaphore_mem>>) src(%dma_wait3A_25 : memref<80x128xi32, #tpu.memory_space<hbm>>) dst(%arg8 : memref<80x128xi32, #tpu.memory_space<vmem>>)
      tpu.yield
    }) : () -> ()
    %mul3A_1 = arith.constant 640 : i32
    %mul3A_2 = arith.muli %arg1, %mul3A_1 : i32
    "tpu.region"() ({
      %run_scoped3A = tpu.sem_alloc : memref<!tpu.dma_semaphore, #tpu.memory_space<semaphore_mem>>
      %dma_start3A = arith.constant 0 : i32
      %dma_start3A_12 = tpu.memref_slice %arg10[%mul3A_2, %dma_start3A] : memref<10240x128xf32, #tpu.memory_space<vmem_shared>> -> memref<640x128xf32, #tpu.memory_space<vmem_shared>>
      tpu.enqueue_dma source(%arg5 : memref<640x128xf32, #tpu.memory_space<hbm>>) target(%dma_start3A_12 : memref<640x128xf32, #tpu.memory_space<vmem_shared>>) target_semaphore(%run_scoped3A : memref<!tpu.dma_semaphore, #tpu.memory_space<semaphore_mem>>)
      %dma_wait3A = arith.constant 0 : i32
      %dma_wait3A_13 = tpu.memref_slice %arg10[%mul3A_2, %dma_wait3A] : memref<10240x128xf32, #tpu.memory_space<vmem_shared>> -> memref<640x128xf32, #tpu.memory_space<vmem_shared>>
      tpu.wait_dma2 semaphore(%run_scoped3A : memref<!tpu.dma_semaphore, #tpu.memory_space<semaphore_mem>>) src(%arg5 : memref<640x128xf32, #tpu.memory_space<hbm>>) dst(%dma_wait3A_13 : memref<640x128xf32, #tpu.memory_space<vmem_shared>>)
      tpu.yield
    }) : () -> ()
    %barrier3A = arith.constant 0 : index
    tpu.barrier barrier_id(%barrier3A)
    %scan3A = arith.constant 0 : i32
    %scan3A_3 = arith.constant 80 : i32
    %scan3A_4 = arith.addi %scan3A, %scan3A_3 : i32
    %scan3A_5 = arith.constant 1 : i32
    scf.for %scan3A_12 = %scan3A to %scan3A_4 step %scan3A_5  : i32 {
      %mul3A_13 = arith.constant 1 : i32
      %mul3A_14 = arith.muli %scan3A_12, %mul3A_13 : i32
      %add3A_15 = arith.constant 0 : i32
      %add3A_16 = arith.addi %add3A_15, %mul3A_14 : i32
      "tpu.region"() ({
        %run_scoped3A = tpu.sem_alloc : memref<!tpu.dma_semaphore, #tpu.memory_space<semaphore_mem>>
        %dma_start3A = arith.constant 0 : i32
        %dma_start3A_17 = tpu.memref_slice %arg7[%add3A_16, %dma_start3A] : memref<80x128xi32, #tpu.memory_space<vmem>> -> memref<1x128xi32, #tpu.memory_space<vmem>>
        %dma_start3A_18 = tpu.memref_squeeze %dma_start3A_17 : memref<1x128xi32, #tpu.memory_space<vmem>> -> memref<128xi32, #tpu.memory_space<vmem>>
        %dma_start3A_19 = arith.constant 0 : i32
        %dma_start3A_20 = arith.constant 0 : i32
        %dma_start3A_21 = tpu.memref_slice %arg2[%dma_start3A_19, %dma_start3A_20] : memref<10240x128xf32, #tpu.memory_space<hbm>> -> memref<10240x128xf32, #tpu.memory_space<hbm>>
        tpu.enqueue_indirect_dma source(%dma_start3A_21 : memref<10240x128xf32, #tpu.memory_space<hbm>>) target(%arg9 : memref<128x128xf32, #tpu.memory_space<vmem>>) offsets(%dma_start3A_18 : memref<128xi32, #tpu.memory_space<vmem>>) semaphore(%run_scoped3A : memref<!tpu.dma_semaphore, #tpu.memory_space<semaphore_mem>>)
        %dma_wait3A = arith.constant 0 : i32
        %dma_wait3A_22 = tpu.memref_slice %arg7[%add3A_16, %dma_wait3A] : memref<80x128xi32, #tpu.memory_space<vmem>> -> memref<1x128xi32, #tpu.memory_space<vmem>>
        %dma_wait3A_23 = tpu.memref_squeeze %dma_wait3A_22 : memref<1x128xi32, #tpu.memory_space<vmem>> -> memref<128xi32, #tpu.memory_space<vmem>>
        %dma_wait3A_24 = arith.constant 0 : i32
        %dma_wait3A_25 = arith.constant 0 : i32
        %dma_wait3A_26 = tpu.memref_slice %arg2[%dma_wait3A_24, %dma_wait3A_25] : memref<10240x128xf32, #tpu.memory_space<hbm>> -> memref<10240x128xf32, #tpu.memory_space<hbm>>
        tpu.wait_indirect_dma semaphore(%run_scoped3A : memref<!tpu.dma_semaphore, #tpu.memory_space<semaphore_mem>>) src(%dma_wait3A_26 : memref<10240x128xf32, #tpu.memory_space<hbm>>) dst(%arg9 : memref<128x128xf32, #tpu.memory_space<vmem>>)
        tpu.yield
      }) : () -> ()
      "tpu.region"() ({
        %run_scoped3A = tpu.sem_alloc : memref<!tpu.dma_semaphore, #tpu.memory_space<semaphore_mem>>
        %dma_start3A = arith.constant 0 : i32
        %dma_start3A_17 = tpu.memref_slice %arg8[%add3A_16, %dma_start3A] : memref<80x128xi32, #tpu.memory_space<vmem>> -> memref<1x128xi32, #tpu.memory_space<vmem>>
        %dma_start3A_18 = tpu.memref_squeeze %dma_start3A_17 : memref<1x128xi32, #tpu.memory_space<vmem>> -> memref<128xi32, #tpu.memory_space<vmem>>
        %dma_start3A_19 = arith.constant 0 : i32
        %dma_start3A_20 = arith.constant 0 : i32
        %dma_start3A_21 = tpu.memref_slice %arg10[%dma_start3A_19, %dma_start3A_20] : memref<10240x128xf32, #tpu.memory_space<vmem_shared>> -> memref<10240x128xf32, #tpu.memory_space<vmem_shared>>
        tpu.enqueue_indirect_dma source(%arg9 : memref<128x128xf32, #tpu.memory_space<vmem>>) target(%dma_start3A_21 : memref<10240x128xf32, #tpu.memory_space<vmem_shared>>) offsets(%dma_start3A_18 : memref<128xi32, #tpu.memory_space<vmem>>) semaphore(%run_scoped3A : memref<!tpu.dma_semaphore, #tpu.memory_space<semaphore_mem>>) {add = true}
        %dma_wait3A = arith.constant 0 : i32
        %dma_wait3A_22 = tpu.memref_slice %arg8[%add3A_16, %dma_wait3A] : memref<80x128xi32, #tpu.memory_space<vmem>> -> memref<1x128xi32, #tpu.memory_space<vmem>>
        %dma_wait3A_23 = tpu.memref_squeeze %dma_wait3A_22 : memref<1x128xi32, #tpu.memory_space<vmem>> -> memref<128xi32, #tpu.memory_space<vmem>>
        %dma_wait3A_24 = arith.constant 0 : i32
        %dma_wait3A_25 = arith.constant 0 : i32
        %dma_wait3A_26 = tpu.memref_slice %arg10[%dma_wait3A_24, %dma_wait3A_25] : memref<10240x128xf32, #tpu.memory_space<vmem_shared>> -> memref<10240x128xf32, #tpu.memory_space<vmem_shared>>
        tpu.wait_indirect_dma semaphore(%run_scoped3A : memref<!tpu.dma_semaphore, #tpu.memory_space<semaphore_mem>>) src(%arg9 : memref<128x128xf32, #tpu.memory_space<vmem>>) dst(%dma_wait3A_26 : memref<10240x128xf32, #tpu.memory_space<vmem_shared>>)
        tpu.yield
      }) : () -> ()
    }
    %scan3A_6 = arith.constant 80 : i32
    %barrier3A_7 = arith.constant 0 : index
    tpu.barrier barrier_id(%barrier3A_7)
    %mul3A_8 = arith.constant 640 : i32
    %mul3A_9 = arith.muli %arg1, %mul3A_8 : i32
    %mul3A_10 = arith.constant 640 : i32
    %mul3A_11 = arith.muli %arg1, %mul3A_10 : i32
    "tpu.region"() ({
      %run_scoped3A = tpu.sem_alloc : memref<!tpu.dma_semaphore, #tpu.memory_space<semaphore_mem>>
      %dma_start3A = arith.constant 0 : i32
      %dma_start3A_12 = tpu.memref_slice %arg6[%arg0, %mul3A_11, %dma_start3A] : memref<2x10240x128xf32, #tpu.memory_space<hbm>> -> memref<1x640x128xf32, #tpu.memory_space<hbm>>
      %dma_start3A_13 = tpu.memref_squeeze %dma_start3A_12 : memref<1x640x128xf32, #tpu.memory_space<hbm>> -> memref<640x128xf32, #tpu.memory_space<hbm>>
      %dma_start3A_14 = arith.constant 0 : i32
      %dma_start3A_15 = tpu.memref_slice %arg10[%mul3A_9, %dma_start3A_14] : memref<10240x128xf32, #tpu.memory_space<vmem_shared>> -> memref<640x128xf32, #tpu.memory_space<vmem_shared>>
      tpu.enqueue_dma source(%dma_start3A_15 : memref<640x128xf32, #tpu.memory_space<vmem_shared>>) target(%dma_start3A_13 : memref<640x128xf32, #tpu.memory_space<hbm>>) target_semaphore(%run_scoped3A : memref<!tpu.dma_semaphore, #tpu.memory_space<semaphore_mem>>)
      %dma_wait3A = arith.constant 0 : i32
      %dma_wait3A_16 = tpu.memref_slice %arg6[%arg0, %mul3A_11, %dma_wait3A] : memref<2x10240x128xf32, #tpu.memory_space<hbm>> -> memref<1x640x128xf32, #tpu.memory_space<hbm>>
      %dma_wait3A_17 = tpu.memref_squeeze %dma_wait3A_16 : memref<1x640x128xf32, #tpu.memory_space<hbm>> -> memref<640x128xf32, #tpu.memory_space<hbm>>
      %dma_wait3A_18 = arith.constant 0 : i32
      %dma_wait3A_19 = tpu.memref_slice %arg10[%mul3A_9, %dma_wait3A_18] : memref<10240x128xf32, #tpu.memory_space<vmem_shared>> -> memref<640x128xf32, #tpu.memory_space<vmem_shared>>
      tpu.wait_dma2 semaphore(%run_scoped3A : memref<!tpu.dma_semaphore, #tpu.memory_space<semaphore_mem>>) src(%dma_wait3A_19 : memref<640x128xf32, #tpu.memory_space<vmem_shared>>) dst(%dma_wait3A_17 : memref<640x128xf32, #tpu.memory_space<hbm>>)
      tpu.yield
    }) : () -> ()
    return
  }
}

module attributes {stable_mosaic.version = 14 : i64} {
  func.func @body(%arg0: i32, %arg1: memref<1000x128xf32, #tpu.memory_space<vmem>>, %arg2: memref<128x128xf32, #tpu.memory_space<vmem>>, %arg3: memref<1000x128xf32, #tpu.memory_space<vmem>>) attributes {dimension_semantics = [#tpu.dimension_semantics<arbitrary>], iteration_bounds = array<i64: 10>, scalar_prefetch = 0 : i64, scratch_operands = 0 : i64, tpu.core_type = #tpu.core_type<tc>, window_params = [{transform_indices = @transform_0, window_bounds = array<i64: 1000, 128>}, {pipeline_mode = #tpu.pipeline_mode<synchronous>, transform_indices = @transform_1, window_bounds = array<i64: 128, 128>}, {transform_indices = @transform_2, window_bounds = array<i64: 1000, 128>}]} {
    %get3A = arith.constant 0 : index
    %get3A_0 = arith.constant 0 : index
    %get3A_1 = vector.load %arg1[%get3A, %get3A_0] : memref<1000x128xf32, #tpu.memory_space<vmem>>, vector<1000x128xf32>
    %get3A_2 = arith.constant 0 : index
    %get3A_3 = arith.constant 0 : index
    %get3A_4 = vector.load %arg2[%get3A_2, %get3A_3] : memref<128x128xf32, #tpu.memory_space<vmem>>, vector<128x128xf32>
    %dot_general3A = arith.constant dense<0.000000e+00> : vector<1000x128xf32>
    %dot_general3A_5 = tpu.matmul %get3A_1, %get3A_4, %dot_general3A {dimension_numbers = #tpu.dot_dimension_numbers<[1], [0], [0], [1], [0, 0, 1, 1], [], []>, transpose_lhs_hint = false} : vector<1000x128xf32>, vector<128x128xf32>, vector<1000x128xf32> -> vector<1000x128xf32>
    %swap3A = arith.constant 0 : index
    %swap3A_6 = arith.constant 0 : index
    %swap3A_7 = vector.load %arg3[%swap3A, %swap3A_6] : memref<1000x128xf32, #tpu.memory_space<vmem>>, vector<1000x128xf32>
    tpu.vector_store %arg3[%swap3A, %swap3A_6], %dot_general3A_5 {strides = array<i32>} : memref<1000x128xf32, #tpu.memory_space<vmem>>, vector<1000x128xf32>,
    return
  }
  func.func @transform_0(%arg0: i32) -> (i32, i32) {
    %c0_i32 = arith.constant 0 : i32
    %c0_i32_0 = arith.constant 0 : i32
    return %arg0, %c0_i32 : i32, i32
  }
  func.func @transform_1(%arg0: i32) -> (i32, i32) {
    %c0_i32 = arith.constant 0 : i32
    %c0_i32_0 = arith.constant 0 : i32
    %c0_i32_1 = arith.constant 0 : i32
    return %c0_i32, %c0_i32_0 : i32, i32
  }
  func.func @transform_2(%arg0: i32) -> (i32, i32) {
    %c0_i32 = arith.constant 0 : i32
    %c0_i32_0 = arith.constant 0 : i32
    return %arg0, %c0_i32 : i32, i32
  }
}

module attributes {stable_mosaic.version = 14 : i64} {
  func.func @body(%arg0: i32, %arg1: memref<2x1000x128xf32, #tpu.memory_space<vmem>>, %arg2: memref<1000x128xf32, #tpu.memory_space<vmem>>, %arg3: memref<1000x1xf32, #tpu.memory_space<vmem>>, %arg4: memref<1000x128xf32, #tpu.memory_space<vmem>>) attributes {dimension_semantics = [#tpu.dimension_semantics<arbitrary>], iteration_bounds = array<i64: 10>, scalar_prefetch = 0 : i64, scratch_operands = 0 : i64, tpu.core_type = #tpu.core_type<tc>, window_params = [{transform_indices = @transform_0, window_bounds = array<i64: 2, 1000, 128>}, {transform_indices = @transform_1, window_bounds = array<i64: 1000, 128>}, {transform_indices = @transform_2, window_bounds = array<i64: 1000, 1>}, {transform_indices = @transform_3, window_bounds = array<i64: 1000, 128>}]} {
    %get3A = arith.constant 0 : index
    %get3A_0 = arith.constant 0 : index
    %get3A_1 = arith.constant 0 : index
    %get3A_2 = vector.load %arg1[%get3A, %get3A_0, %get3A_1] : memref<2x1000x128xf32, #tpu.memory_space<vmem>>, vector<1x1000x1xf32>
    %get3A_3 = vector.shape_cast %get3A_2 : vector<1x1000x1xf32> to vector<1000x1xf32>
    %get3A_4 = arith.constant 1 : index
    %get3A_5 = arith.constant 0 : index
    %get3A_6 = arith.constant 0 : index
    %get3A_7 = vector.load %arg1[%get3A_4, %get3A_5, %get3A_6] : memref<2x1000x128xf32, #tpu.memory_space<vmem>>, vector<1x1000x1xf32>
    %get3A_8 = vector.shape_cast %get3A_7 : vector<1x1000x1xf32> to vector<1000x1xf32>
    %add3A = arith.addf %get3A_3, %get3A_8 : vector<1000x1xf32>
    %add3A_9 = arith.constant 1.000000e+00 : f32
    %add3A_10 = vector.broadcast %add3A_9 : f32 to vector<1000x1xf32>
    %add3A_11 = arith.addf %add3A, %add3A_10 : vector<1000x1xf32>
    %rsqrt3A = math.rsqrt %add3A_11 : vector<1000x1xf32>
    %swap3A = arith.constant 0 : index
    %swap3A_12 = arith.constant 0 : index
    %swap3A_13 = vector.load %arg3[%swap3A, %swap3A_12] : memref<1000x1xf32, #tpu.memory_space<vmem>>, vector<1000x1xf32>
    tpu.vector_store %arg3[%swap3A, %swap3A_12], %rsqrt3A {strides = array<i32>} : memref<1000x1xf32, #tpu.memory_space<vmem>>, vector<1000x1xf32>,
    %get3A_14 = arith.constant 0 : index
    %get3A_15 = arith.constant 0 : index
    %get3A_16 = vector.load %arg2[%get3A_14, %get3A_15] : memref<1000x128xf32, #tpu.memory_space<vmem>>, vector<1000x128xf32>
    %mul3A = vector.broadcast %rsqrt3A : vector<1000x1xf32> to vector<1000x128xf32>
    %mul3A_17 = arith.mulf %get3A_16, %mul3A : vector<1000x128xf32>
    %swap3A_18 = arith.constant 0 : index
    %swap3A_19 = arith.constant 0 : index
    %swap3A_20 = vector.load %arg4[%swap3A_18, %swap3A_19] : memref<1000x128xf32, #tpu.memory_space<vmem>>, vector<1000x128xf32>
    tpu.vector_store %arg4[%swap3A_18, %swap3A_19], %mul3A_17 {strides = array<i32>} : memref<1000x128xf32, #tpu.memory_space<vmem>>, vector<1000x128xf32>,
    return
  }
  func.func @transform_0(%arg0: i32) -> (i32, i32, i32) {
    %c0_i32 = arith.constant 0 : i32
    %c0_i32_0 = arith.constant 0 : i32
    %c0_i32_1 = arith.constant 0 : i32
    return %c0_i32, %arg0, %c0_i32_0 : i32, i32, i32
  }
  func.func @transform_1(%arg0: i32) -> (i32, i32) {
    %c0_i32 = arith.constant 0 : i32
    %c0_i32_0 = arith.constant 0 : i32
    return %arg0, %c0_i32 : i32, i32
  }
  func.func @transform_2(%arg0: i32) -> (i32, i32) {
    %c0_i32 = arith.constant 0 : i32
    %c0_i32_0 = arith.constant 0 : i32
    return %arg0, %c0_i32 : i32, i32
  }
  func.func @transform_3(%arg0: i32) -> (i32, i32) {
    %c0_i32 = arith.constant 0 : i32
    %c0_i32_0 = arith.constant 0 : i32
    return %arg0, %c0_i32 : i32, i32
  }
}

module attributes {stable_mosaic.version = 14 : i64} {
  func.func @body(%arg0: i32, %arg1: memref<2x1000x128xf32, #tpu.memory_space<vmem>>, %arg2: memref<1000x128xf32, #tpu.memory_space<vmem>>, %arg3: memref<1000x1xf32, #tpu.memory_space<vmem>>, %arg4: memref<1x128xf32, #tpu.memory_space<vmem>>, %arg5: memref<1000x128xf32, #tpu.memory_space<vmem>>, %arg6: memref<2x128xf32, #tpu.memory_space<vmem>>) attributes {dimension_semantics = [#tpu.dimension_semantics<arbitrary>], iteration_bounds = array<i64: 10>, scalar_prefetch = 0 : i64, scratch_operands = 0 : i64, tpu.core_type = #tpu.core_type<tc>, window_params = [{transform_indices = @transform_0, window_bounds = array<i64: 2, 1000, 128>}, {transform_indices = @transform_1, window_bounds = array<i64: 1000, 128>}, {transform_indices = @transform_2, window_bounds = array<i64: 1000, 1>}, {pipeline_mode = #tpu.pipeline_mode<synchronous>, transform_indices = @transform_3, window_bounds = array<i64: 1, 128>}, {transform_indices = @transform_4, window_bounds = array<i64: 1000, 128>}, {pipeline_mode = #tpu.pipeline_mode<synchronous>, transform_indices = @transform_5, window_bounds = array<i64: 2, 128>}]} {
    %get3A = arith.constant 0 : index
    %get3A_0 = arith.constant 0 : index
    %get3A_1 = vector.load %arg3[%get3A, %get3A_0] : memref<1000x1xf32, #tpu.memory_space<vmem>>, vector<1000x1xf32>
    %get3A_2 = arith.constant 0 : index
    %get3A_3 = arith.constant 0 : index
    %get3A_4 = arith.constant 0 : index
    %get3A_5 = vector.load %arg1[%get3A_2, %get3A_3, %get3A_4] : memref<2x1000x128xf32, #tpu.memory_space<vmem>>, vector<1x1000x128xf32>
    %get3A_6 = vector.shape_cast %get3A_5 : vector<1x1000x128xf32> to vector<1000x128xf32>
    %get3A_7 = arith.constant 1 : index
    %get3A_8 = arith.constant 0 : index
    %get3A_9 = arith.constant 0 : index
    %get3A_10 = vector.load %arg1[%get3A_7, %get3A_8, %get3A_9] : memref<2x1000x128xf32, #tpu.memory_space<vmem>>, vector<1x1000x128xf32>
    %get3A_11 = vector.shape_cast %get3A_10 : vector<1x1000x128xf32> to vector<1000x128xf32>
    %add3A = arith.addf %get3A_6, %get3A_11 : vector<1000x128xf32>
    %get3A_12 = arith.constant 0 : index
    %get3A_13 = arith.constant 0 : index
    %get3A_14 = vector.load %arg2[%get3A_12, %get3A_13] : memref<1000x128xf32, #tpu.memory_space<vmem>>, vector<1000x128xf32>
    %add3A_15 = arith.addf %add3A, %get3A_14 : vector<1000x128xf32>
    %mul3A = vector.broadcast %get3A_1 : vector<1000x1xf32> to vector<1000x128xf32>
    %mul3A_16 = arith.mulf %mul3A, %add3A_15 : vector<1000x128xf32>
    %get3A_17 = arith.constant 0 : index
    %get3A_18 = arith.constant 0 : index
    %get3A_19 = vector.load %arg4[%get3A_17, %get3A_18] : memref<1x128xf32, #tpu.memory_space<vmem>>, vector<1x128xf32>
    %add3A_20 = vector.broadcast %get3A_19 : vector<1x128xf32> to vector<1000x128xf32>
    %add3A_21 = arith.addf %mul3A_16, %add3A_20 : vector<1000x128xf32>
    %max3A = arith.constant 0.000000e+00 : f32
    %max3A_22 = vector.broadcast %max3A : f32 to vector<1000x128xf32>
    %max3A_23 = arith.maximumf %add3A_21, %max3A_22 : vector<1000x128xf32>
    %swap3A = arith.constant 0 : index
    %swap3A_24 = arith.constant 0 : index
    %swap3A_25 = vector.load %arg5[%swap3A, %swap3A_24] : memref<1000x128xf32, #tpu.memory_space<vmem>>, vector<1000x128xf32>
    tpu.vector_store %arg5[%swap3A, %swap3A_24], %max3A_23 {strides = array<i32>} : memref<1000x128xf32, #tpu.memory_space<vmem>>, vector<1000x128xf32>,
    %reduce_sum3A = arith.constant dense<0.000000e+00> : vector<128xf32>
    %reduce_sum3A_26 = vector.multi_reduction <add>, %max3A_23, %reduce_sum3A [0] : vector<1000x128xf32> to vector<128xf32>
    %broadcast_in_dim3A = vector.shape_cast %reduce_sum3A_26 : vector<128xf32> to vector<1x128xf32>
    %mul3A_27 = arith.mulf %max3A_23, %max3A_23 : vector<1000x128xf32>
    %reduce_sum3A_28 = arith.constant dense<0.000000e+00> : vector<128xf32>
    %reduce_sum3A_29 = vector.multi_reduction <add>, %mul3A_27, %reduce_sum3A_28 [0] : vector<1000x128xf32> to vector<128xf32>
    %broadcast_in_dim3A_30 = vector.shape_cast %reduce_sum3A_29 : vector<128xf32> to vector<1x128xf32>
    %concatenate3A = tpu.concatenate %broadcast_in_dim3A, %broadcast_in_dim3A_30 in 0 : vector<1x128xf32>, vector<1x128xf32> -> vector<2x128xf32>
    %eq3A = arith.constant 0 : i32
    %eq3A_31 = arith.cmpi eq, %arg0, %eq3A : i32
    %convert_element_type3A = arith.extui %eq3A_31 : i1 to i32
    %cond3A = arith.constant 0 : i32
    %cond3A_32 = arith.cmpi ne, %convert_element_type3A, %cond3A : i32
    scf.if %cond3A_32 {
      %swap3A_37 = arith.constant 0 : index
      %swap3A_38 = arith.constant 0 : index
      %swap3A_39 = vector.load %arg6[%swap3A_37, %swap3A_38] : memref<2x128xf32, #tpu.memory_space<vmem>>, vector<2x128xf32>
      tpu.vector_store %arg6[%swap3A_37, %swap3A_38], %concatenate3A {strides = array<i32>} : memref<2x128xf32, #tpu.memory_space<vmem>>, vector<2x128xf32>,
    } else {
    }
    %gt3A = arith.constant 0 : i32
    %gt3A_33 = arith.cmpi sgt, %arg0, %gt3A : i32
    %convert_element_type3A_34 = arith.extui %gt3A_33 : i1 to i32
    %cond3A_35 = arith.constant 0 : i32
    %cond3A_36 = arith.cmpi ne, %convert_element_type3A_34, %cond3A_35 : i32
    scf.if %cond3A_36 {
      %get3A_37 = arith.constant 0 : index
      %get3A_38 = arith.constant 0 : index
      %get3A_39 = vector.load %arg6[%get3A_37, %get3A_38] : memref<2x128xf32, #tpu.memory_space<vmem>>, vector<2x128xf32>
      %add3A_40 = arith.addf %get3A_39, %concatenate3A : vector<2x128xf32>
      %swap3A_41 = arith.constant 0 : index
      %swap3A_42 = arith.constant 0 : index
      %swap3A_43 = vector.load %arg6[%swap3A_41, %swap3A_42] : memref<2x128xf32, #tpu.memory_space<vmem>>, vector<2x128xf32>
      tpu.vector_store %arg6[%swap3A_41, %swap3A_42], %add3A_40 {strides = array<i32>} : memref<2x128xf32, #tpu.memory_space<vmem>>, vector<2x128xf32>,
    } else {
    }
    return
  }
  func.func @transform_0(%arg0: i32) -> (i32, i32, i32) {
    %c0_i32 = arith.constant 0 : i32
    %c0_i32_0 = arith.constant 0 : i32
    %c0_i32_1 = arith.constant 0 : i32
    return %c0_i32, %arg0, %c0_i32_0 : i32, i32, i32
  }
  func.func @transform_1(%arg0: i32) -> (i32, i32) {
    %c0_i32 = arith.constant 0 : i32
    %c0_i32_0 = arith.constant 0 : i32
    return %arg0, %c0_i32 : i32, i32
  }
  func.func @transform_2(%arg0: i32) -> (i32, i32) {
    %c0_i32 = arith.constant 0 : i32
    %c0_i32_0 = arith.constant 0 : i32
    return %arg0, %c0_i32 : i32, i32
  }
  func.func @transform_3(%arg0: i32) -> (i32, i32) {
    %c0_i32 = arith.constant 0 : i32
    %c0_i32_0 = arith.constant 0 : i32
    %c0_i32_1 = arith.constant 0 : i32
    return %c0_i32, %c0_i32_0 : i32, i32
  }
  func.func @transform_4(%arg0: i32) -> (i32, i32) {
    %c0_i32 = arith.constant 0 : i32
    %c0_i32_0 = arith.constant 0 : i32
    return %arg0, %c0_i32 : i32, i32
  }
  func.func @transform_5(%arg0: i32) -> (i32, i32) {
    %c0_i32 = arith.constant 0 : i32
    %c0_i32_0 = arith.constant 0 : i32
    %c0_i32_1 = arith.constant 0 : i32
    return %c0_i32, %c0_i32_0 : i32, i32
  }
}

module attributes {stable_mosaic.version = 14 : i64} {
  func.func @body(%arg0: i32, %arg1: memref<1000x128xf32, #tpu.memory_space<vmem>>, %arg2: memref<2x128xf32, #tpu.memory_space<vmem>>, %arg3: memref<1x128xf32, #tpu.memory_space<vmem>>, %arg4: memref<1x128xf32, #tpu.memory_space<vmem>>, %arg5: memref<1000x1xf32, #tpu.memory_space<vmem>>, %arg6: memref<128x128xf32, #tpu.memory_space<vmem>>, %arg7: memref<1000x128xf32, #tpu.memory_space<vmem>>) attributes {dimension_semantics = [#tpu.dimension_semantics<arbitrary>], iteration_bounds = array<i64: 10>, scalar_prefetch = 0 : i64, scratch_operands = 0 : i64, tpu.core_type = #tpu.core_type<tc>, window_params = [{transform_indices = @transform_0, window_bounds = array<i64: 1000, 128>}, {pipeline_mode = #tpu.pipeline_mode<synchronous>, transform_indices = @transform_1, window_bounds = array<i64: 2, 128>}, {pipeline_mode = #tpu.pipeline_mode<synchronous>, transform_indices = @transform_2, window_bounds = array<i64: 1, 128>}, {pipeline_mode = #tpu.pipeline_mode<synchronous>, transform_indices = @transform_3, window_bounds = array<i64: 1, 128>}, {transform_indices = @transform_4, window_bounds = array<i64: 1000, 1>}, {pipeline_mode = #tpu.pipeline_mode<synchronous>, transform_indices = @transform_5, window_bounds = array<i64: 128, 128>}, {transform_indices = @transform_6, window_bounds = array<i64: 1000, 128>}]} {
    %get3A = arith.constant 0 : index
    %get3A_0 = arith.constant 0 : index
    %get3A_1 = vector.load %arg2[%get3A, %get3A_0] : memref<2x128xf32, #tpu.memory_space<vmem>>, vector<1x128xf32>
    %mul3A = arith.constant 9.99999974E-5 : f32
    %mul3A_2 = vector.broadcast %mul3A : f32 to vector<1x128xf32>
    %mul3A_3 = arith.mulf %get3A_1, %mul3A_2 : vector<1x128xf32>
    %get3A_4 = arith.constant 1 : index
    %get3A_5 = arith.constant 0 : index
    %get3A_6 = vector.load %arg2[%get3A_4, %get3A_5] : memref<2x128xf32, #tpu.memory_space<vmem>>, vector<1x128xf32>
    %mul3A_7 = arith.constant 9.99999974E-5 : f32
    %mul3A_8 = vector.broadcast %mul3A_7 : f32 to vector<1x128xf32>
    %mul3A_9 = arith.mulf %get3A_6, %mul3A_8 : vector<1x128xf32>
    %mul3A_10 = arith.mulf %mul3A_3, %mul3A_3 : vector<1x128xf32>
    %sub3A = arith.subf %mul3A_9, %mul3A_10 : vector<1x128xf32>
    %add3A = arith.constant 9.99999974E-6 : f32
    %add3A_11 = vector.broadcast %add3A : f32 to vector<1x128xf32>
    %add3A_12 = arith.addf %sub3A, %add3A_11 : vector<1x128xf32>
    %rsqrt3A = math.rsqrt %add3A_12 : vector<1x128xf32>
    %get3A_13 = arith.constant 0 : index
    %get3A_14 = arith.constant 0 : index
    %get3A_15 = vector.load %arg1[%get3A_13, %get3A_14] : memref<1000x128xf32, #tpu.memory_space<vmem>>, vector<1000x128xf32>
    %sub3A_16 = vector.broadcast %mul3A_3 : vector<1x128xf32> to vector<1000x128xf32>
    %sub3A_17 = arith.subf %get3A_15, %sub3A_16 : vector<1000x128xf32>
    %get3A_18 = arith.constant 0 : index
    %get3A_19 = arith.constant 0 : index
    %get3A_20 = vector.load %arg3[%get3A_18, %get3A_19] : memref<1x128xf32, #tpu.memory_space<vmem>>, vector<1x128xf32>
    %mul3A_21 = arith.mulf %rsqrt3A, %get3A_20 : vector<1x128xf32>
    %mul3A_22 = vector.broadcast %mul3A_21 : vector<1x128xf32> to vector<1000x128xf32>
    %mul3A_23 = arith.mulf %sub3A_17, %mul3A_22 : vector<1000x128xf32>
    %get3A_24 = arith.constant 0 : index
    %get3A_25 = arith.constant 0 : index
    %get3A_26 = vector.load %arg4[%get3A_24, %get3A_25] : memref<1x128xf32, #tpu.memory_space<vmem>>, vector<1x128xf32>
    %add3A_27 = vector.broadcast %get3A_26 : vector<1x128xf32> to vector<1000x128xf32>
    %add3A_28 = arith.addf %mul3A_23, %add3A_27 : vector<1000x128xf32>
    %get3A_29 = arith.constant 0 : index
    %get3A_30 = arith.constant 0 : index
    %get3A_31 = vector.load %arg6[%get3A_29, %get3A_30] : memref<128x128xf32, #tpu.memory_space<vmem>>, vector<128x128xf32>
    %dot_general3A = arith.constant dense<0.000000e+00> : vector<1000x128xf32>
    %dot_general3A_32 = tpu.matmul %add3A_28, %get3A_31, %dot_general3A {dimension_numbers = #tpu.dot_dimension_numbers<[1], [0], [0], [1], [0, 0, 1, 1], [], []>, transpose_lhs_hint = false} : vector<1000x128xf32>, vector<128x128xf32>, vector<1000x128xf32> -> vector<1000x128xf32>
    %get3A_33 = arith.constant 0 : index
    %get3A_34 = arith.constant 0 : index
    %get3A_35 = vector.load %arg5[%get3A_33, %get3A_34] : memref<1000x1xf32, #tpu.memory_space<vmem>>, vector<1000x1xf32>
    %mul3A_36 = vector.broadcast %get3A_35 : vector<1000x1xf32> to vector<1000x128xf32>
    %mul3A_37 = arith.mulf %dot_general3A_32, %mul3A_36 : vector<1000x128xf32>
    %swap3A = arith.constant 0 : index
    %swap3A_38 = arith.constant 0 : index
    %swap3A_39 = vector.load %arg7[%swap3A, %swap3A_38] : memref<1000x128xf32, #tpu.memory_space<vmem>>, vector<1000x128xf32>
    tpu.vector_store %arg7[%swap3A, %swap3A_38], %mul3A_37 {strides = array<i32>} : memref<1000x128xf32, #tpu.memory_space<vmem>>, vector<1000x128xf32>,
    return
  }
  func.func @transform_0(%arg0: i32) -> (i32, i32) {
    %c0_i32 = arith.constant 0 : i32
    %c0_i32_0 = arith.constant 0 : i32
    return %arg0, %c0_i32 : i32, i32
  }
  func.func @transform_1(%arg0: i32) -> (i32, i32) {
    %c0_i32 = arith.constant 0 : i32
    %c0_i32_0 = arith.constant 0 : i32
    %c0_i32_1 = arith.constant 0 : i32
    return %c0_i32, %c0_i32_0 : i32, i32
  }
  func.func @transform_2(%arg0: i32) -> (i32, i32) {
    %c0_i32 = arith.constant 0 : i32
    %c0_i32_0 = arith.constant 0 : i32
    %c0_i32_1 = arith.constant 0 : i32
    return %c0_i32, %c0_i32_0 : i32, i32
  }
  func.func @transform_3(%arg0: i32) -> (i32, i32) {
    %c0_i32 = arith.constant 0 : i32
    %c0_i32_0 = arith.constant 0 : i32
    %c0_i32_1 = arith.constant 0 : i32
    return %c0_i32, %c0_i32_0 : i32, i32
  }
  func.func @transform_4(%arg0: i32) -> (i32, i32) {
    %c0_i32 = arith.constant 0 : i32
    %c0_i32_0 = arith.constant 0 : i32
    return %arg0, %c0_i32 : i32, i32
  }
  func.func @transform_5(%arg0: i32) -> (i32, i32) {
    %c0_i32 = arith.constant 0 : i32
    %c0_i32_0 = arith.constant 0 : i32
    %c0_i32_1 = arith.constant 0 : i32
    return %c0_i32, %c0_i32_0 : i32, i32
  }
  func.func @transform_6(%arg0: i32) -> (i32, i32) {
    %c0_i32 = arith.constant 0 : i32
    %c0_i32_0 = arith.constant 0 : i32
    return %arg0, %c0_i32 : i32, i32
  }
}

module attributes {stable_mosaic.version = 14 : i64} {
  func.func @body(%arg0: i32, %arg1: memref<2x1000x128xf32, #tpu.memory_space<vmem>>, %arg2: memref<1000x128xf32, #tpu.memory_space<vmem>>, %arg3: memref<1000x1xf32, #tpu.memory_space<vmem>>, %arg4: memref<1x128xf32, #tpu.memory_space<vmem>>, %arg5: memref<1x1x1000xi32, #tpu.memory_space<vmem>>, %arg6: memref<128x2xf32, #tpu.memory_space<vmem>>, %arg7: memref<1x2xf32, #tpu.memory_space<vmem>>, %arg8: memref<64x2xf32, #tpu.memory_space<vmem>>, %arg9: memref<64x128xf32, #tpu.memory_space<vmem>>, %arg10: memref<64x128xf32, #tpu.memory_space<vmem>>) attributes {dimension_semantics = [#tpu.dimension_semantics<arbitrary>], iteration_bounds = array<i64: 10>, scalar_prefetch = 0 : i64, scratch_operands = 2 : i64, tpu.core_type = #tpu.core_type<tc>, window_params = [{transform_indices = @transform_0, window_bounds = array<i64: 2, 1000, 128>}, {transform_indices = @transform_1, window_bounds = array<i64: 1000, 128>}, {transform_indices = @transform_2, window_bounds = array<i64: 1000, 1>}, {pipeline_mode = #tpu.pipeline_mode<synchronous>, transform_indices = @transform_3, window_bounds = array<i64: 1, 128>}, {transform_indices = @transform_4, window_bounds = array<i64: 1, 1, 1000>}, {pipeline_mode = #tpu.pipeline_mode<synchronous>, transform_indices = @transform_5, window_bounds = array<i64: 128, 2>}, {pipeline_mode = #tpu.pipeline_mode<synchronous>, transform_indices = @transform_6, window_bounds = array<i64: 1, 2>}, {pipeline_mode = #tpu.pipeline_mode<synchronous>, transform_indices = @transform_7, window_bounds = array<i64: 64, 2>}]} {
    %get3A = arith.constant 0 : index
    %get3A_0 = arith.constant 0 : index
    %get3A_1 = vector.load %arg3[%get3A, %get3A_0] : memref<1000x1xf32, #tpu.memory_space<vmem>>, vector<1000x1xf32>
    %get3A_2 = arith.constant 0 : index
    %get3A_3 = arith.constant 0 : index
    %get3A_4 = arith.constant 0 : index
    %get3A_5 = vector.load %arg1[%get3A_2, %get3A_3, %get3A_4] : memref<2x1000x128xf32, #tpu.memory_space<vmem>>, vector<1x1000x128xf32>
    %get3A_6 = vector.shape_cast %get3A_5 : vector<1x1000x128xf32> to vector<1000x128xf32>
    %get3A_7 = arith.constant 1 : index
    %get3A_8 = arith.constant 0 : index
    %get3A_9 = arith.constant 0 : index
    %get3A_10 = vector.load %arg1[%get3A_7, %get3A_8, %get3A_9] : memref<2x1000x128xf32, #tpu.memory_space<vmem>>, vector<1x1000x128xf32>
    %get3A_11 = vector.shape_cast %get3A_10 : vector<1x1000x128xf32> to vector<1000x128xf32>
    %add3A = arith.addf %get3A_6, %get3A_11 : vector<1000x128xf32>
    %get3A_12 = arith.constant 0 : index
    %get3A_13 = arith.constant 0 : index
    %get3A_14 = vector.load %arg2[%get3A_12, %get3A_13] : memref<1000x128xf32, #tpu.memory_space<vmem>>, vector<1000x128xf32>
    %add3A_15 = arith.addf %add3A, %get3A_14 : vector<1000x128xf32>
    %mul3A = vector.broadcast %get3A_1 : vector<1000x1xf32> to vector<1000x128xf32>
    %mul3A_16 = arith.mulf %mul3A, %add3A_15 : vector<1000x128xf32>
    %get3A_17 = arith.constant 0 : index
    %get3A_18 = arith.constant 0 : index
    %get3A_19 = vector.load %arg4[%get3A_17, %get3A_18] : memref<1x128xf32, #tpu.memory_space<vmem>>, vector<1x128xf32>
    %add3A_20 = vector.broadcast %get3A_19 : vector<1x128xf32> to vector<1000x128xf32>
    %add3A_21 = arith.addf %mul3A_16, %add3A_20 : vector<1000x128xf32>
    %iota3A = tpu.iota {dimensions = array<i32: 0>} : vector<64x1000xi32>
    %get3A_22 = arith.constant 0 : index
    %get3A_23 = arith.constant 0 : index
    %get3A_24 = arith.constant 0 : index
    %get3A_25 = vector.load %arg5[%get3A_22, %get3A_23, %get3A_24] : memref<1x1x1000xi32, #tpu.memory_space<vmem>>, vector<1x1x1000xi32>
    %get3A_26 = vector.shape_cast %get3A_25 : vector<1x1x1000xi32> to vector<1x1000xi32>
    %eq3A = vector.broadcast %get3A_26 : vector<1x1000xi32> to vector<64x1000xi32>
    %eq3A_27 = arith.cmpi eq, %eq3A, %iota3A : vector<64x1000xi32>
    %convert_element_type3A = arith.extui %eq3A_27 : vector<64x1000xi1> to vector<64x1000xi32>
    %convert_element_type3A_28 = arith.sitofp %convert_element_type3A : vector<64x1000xi32> to vector<64x1000xf32>
    %dot_general3A = arith.constant dense<0.000000e+00> : vector<64x128xf32>
    %dot_general3A_29 = tpu.matmul %convert_element_type3A_28, %add3A_21, %dot_general3A {dimension_numbers = #tpu.dot_dimension_numbers<[1], [0], [0], [1], [0, 0, 1, 1], [], []>, transpose_lhs_hint = false} : vector<64x1000xf32>, vector<1000x128xf32>, vector<64x128xf32> -> vector<64x128xf32>
    %broadcast_in_dim3A = arith.constant 1.000000e+00 : f32
    %broadcast_in_dim3A_30 = vector.broadcast %broadcast_in_dim3A : f32 to vector<1000x128xf32>
    %dot_general3A_31 = arith.constant dense<0.000000e+00> : vector<64x128xf32>
    %dot_general3A_32 = tpu.matmul %convert_element_type3A_28, %broadcast_in_dim3A_30, %dot_general3A_31 {dimension_numbers = #tpu.dot_dimension_numbers<[1], [0], [0], [1], [0, 0, 1, 1], [], []>, transpose_lhs_hint = false} : vector<64x1000xf32>, vector<1000x128xf32>, vector<64x128xf32> -> vector<64x128xf32>
    %eq3A_33 = arith.constant 0 : i32
    %eq3A_34 = arith.cmpi eq, %arg0, %eq3A_33 : i32
    %convert_element_type3A_35 = arith.extui %eq3A_34 : i1 to i32
    %cond3A = arith.constant 0 : i32
    %cond3A_36 = arith.cmpi ne, %convert_element_type3A_35, %cond3A : i32
    scf.if %cond3A_36 {
      %swap3A = arith.constant 0 : index
      %swap3A_46 = arith.constant 0 : index
      %swap3A_47 = vector.load %arg9[%swap3A, %swap3A_46] : memref<64x128xf32, #tpu.memory_space<vmem>>, vector<64x128xf32>
      tpu.vector_store %arg9[%swap3A, %swap3A_46], %dot_general3A_29 {strides = array<i32>} : memref<64x128xf32, #tpu.memory_space<vmem>>, vector<64x128xf32>,
      %swap3A_48 = arith.constant 0 : index
      %swap3A_49 = arith.constant 0 : index
      %swap3A_50 = vector.load %arg10[%swap3A_48, %swap3A_49] : memref<64x128xf32, #tpu.memory_space<vmem>>, vector<64x128xf32>
      tpu.vector_store %arg10[%swap3A_48, %swap3A_49], %dot_general3A_32 {strides = array<i32>} : memref<64x128xf32, #tpu.memory_space<vmem>>, vector<64x128xf32>,
    } else {
    }
    %gt3A = arith.constant 0 : i32
    %gt3A_37 = arith.cmpi sgt, %arg0, %gt3A : i32
    %convert_element_type3A_38 = arith.extui %gt3A_37 : i1 to i32
    %cond3A_39 = arith.constant 0 : i32
    %cond3A_40 = arith.cmpi ne, %convert_element_type3A_38, %cond3A_39 : i32
    scf.if %cond3A_40 {
      %get3A_46 = arith.constant 0 : index
      %get3A_47 = arith.constant 0 : index
      %get3A_48 = vector.load %arg9[%get3A_46, %get3A_47] : memref<64x128xf32, #tpu.memory_space<vmem>>, vector<64x128xf32>
      %add3A_49 = arith.addf %get3A_48, %dot_general3A_29 : vector<64x128xf32>
      %swap3A = arith.constant 0 : index
      %swap3A_50 = arith.constant 0 : index
      %swap3A_51 = vector.load %arg9[%swap3A, %swap3A_50] : memref<64x128xf32, #tpu.memory_space<vmem>>, vector<64x128xf32>
      tpu.vector_store %arg9[%swap3A, %swap3A_50], %add3A_49 {strides = array<i32>} : memref<64x128xf32, #tpu.memory_space<vmem>>, vector<64x128xf32>,
      %get3A_52 = arith.constant 0 : index
      %get3A_53 = arith.constant 0 : index
      %get3A_54 = vector.load %arg10[%get3A_52, %get3A_53] : memref<64x128xf32, #tpu.memory_space<vmem>>, vector<64x128xf32>
      %add3A_55 = arith.addf %get3A_54, %dot_general3A_32 : vector<64x128xf32>
      %swap3A_56 = arith.constant 0 : index
      %swap3A_57 = arith.constant 0 : index
      %swap3A_58 = vector.load %arg10[%swap3A_56, %swap3A_57] : memref<64x128xf32, #tpu.memory_space<vmem>>, vector<64x128xf32>
      tpu.vector_store %arg10[%swap3A_56, %swap3A_57], %add3A_55 {strides = array<i32>} : memref<64x128xf32, #tpu.memory_space<vmem>>, vector<64x128xf32>,
    } else {
    }
    %eq3A_41 = arith.constant 9 : i32
    %eq3A_42 = arith.cmpi eq, %arg0, %eq3A_41 : i32
    %convert_element_type3A_43 = arith.extui %eq3A_42 : i1 to i32
    %cond3A_44 = arith.constant 0 : i32
    %cond3A_45 = arith.cmpi ne, %convert_element_type3A_43, %cond3A_44 : i32
    scf.if %cond3A_45 {
      %get3A_46 = arith.constant 0 : index
      %get3A_47 = arith.constant 0 : index
      %get3A_48 = vector.load %arg9[%get3A_46, %get3A_47] : memref<64x128xf32, #tpu.memory_space<vmem>>, vector<64x128xf32>
      %get3A_49 = arith.constant 0 : index
      %get3A_50 = arith.constant 0 : index
      %get3A_51 = vector.load %arg10[%get3A_49, %get3A_50] : memref<64x128xf32, #tpu.memory_space<vmem>>, vector<64x128xf32>
      %max3A = arith.constant 1.000000e+00 : f32
      %max3A_52 = vector.broadcast %max3A : f32 to vector<64x128xf32>
      %max3A_53 = arith.maximumf %get3A_51, %max3A_52 : vector<64x128xf32>
      %div3A = arith.divf %get3A_48, %max3A_53 : vector<64x128xf32>
      %get3A_54 = arith.constant 0 : index
      %get3A_55 = arith.constant 0 : index
      %get3A_56 = vector.load %arg6[%get3A_54, %get3A_55] : memref<128x2xf32, #tpu.memory_space<vmem>>, vector<128x2xf32>
      %dot_general3A_57 = arith.constant dense<0.000000e+00> : vector<64x2xf32>
      %dot_general3A_58 = tpu.matmul %div3A, %get3A_56, %dot_general3A_57 {dimension_numbers = #tpu.dot_dimension_numbers<[1], [0], [0], [1], [0, 0, 1, 1], [], []>, transpose_lhs_hint = false} : vector<64x128xf32>, vector<128x2xf32>, vector<64x2xf32> -> vector<64x2xf32>
      %get3A_59 = arith.constant 0 : index
      %get3A_60 = arith.constant 0 : index
      %get3A_61 = vector.load %arg7[%get3A_59, %get3A_60] : memref<1x2xf32, #tpu.memory_space<vmem>>, vector<1x2xf32>
      %add3A_62 = vector.broadcast %get3A_61 : vector<1x2xf32> to vector<64x2xf32>
      %add3A_63 = arith.addf %dot_general3A_58, %add3A_62 : vector<64x2xf32>
      %swap3A = arith.constant 0 : index
      %swap3A_64 = arith.constant 0 : index
      %swap3A_65 = vector.load %arg8[%swap3A, %swap3A_64] : memref<64x2xf32, #tpu.memory_space<vmem>>, vector<64x2xf32>
      tpu.vector_store %arg8[%swap3A, %swap3A_64], %add3A_63 {strides = array<i32>} : memref<64x2xf32, #tpu.memory_space<vmem>>, vector<64x2xf32>,
    } else {
    }
    return
  }
  func.func @transform_0(%arg0: i32) -> (i32, i32, i32) {
    %c0_i32 = arith.constant 0 : i32
    %c0_i32_0 = arith.constant 0 : i32
    %c0_i32_1 = arith.constant 0 : i32
    return %c0_i32, %arg0, %c0_i32_0 : i32, i32, i32
  }
  func.func @transform_1(%arg0: i32) -> (i32, i32) {
    %c0_i32 = arith.constant 0 : i32
    %c0_i32_0 = arith.constant 0 : i32
    return %arg0, %c0_i32 : i32, i32
  }
  func.func @transform_2(%arg0: i32) -> (i32, i32) {
    %c0_i32 = arith.constant 0 : i32
    %c0_i32_0 = arith.constant 0 : i32
    return %arg0, %c0_i32 : i32, i32
  }
  func.func @transform_3(%arg0: i32) -> (i32, i32) {
    %c0_i32 = arith.constant 0 : i32
    %c0_i32_0 = arith.constant 0 : i32
    %c0_i32_1 = arith.constant 0 : i32
    return %c0_i32, %c0_i32_0 : i32, i32
  }
  func.func @transform_4(%arg0: i32) -> (i32, i32, i32) {
    %c0_i32 = arith.constant 0 : i32
    %c0_i32_0 = arith.constant 0 : i32
    %c0_i32_1 = arith.constant 0 : i32
    return %arg0, %c0_i32, %c0_i32_0 : i32, i32, i32
  }
  func.func @transform_5(%arg0: i32) -> (i32, i32) {
    %c0_i32 = arith.constant 0 : i32
    %c0_i32_0 = arith.constant 0 : i32
    %c0_i32_1 = arith.constant 0 : i32
    return %c0_i32, %c0_i32_0 : i32, i32
  }
  func.func @transform_6(%arg0: i32) -> (i32, i32) {
    %c0_i32 = arith.constant 0 : i32
    %c0_i32_0 = arith.constant 0 : i32
    %c0_i32_1 = arith.constant 0 : i32
    return %c0_i32, %c0_i32_0 : i32, i32
  }
  func.func @transform_7(%arg0: i32) -> (i32, i32) {
    %c0_i32 = arith.constant 0 : i32
    %c0_i32_0 = arith.constant 0 : i32
    %c0_i32_1 = arith.constant 0 : i32
    return %c0_i32, %c0_i32_0 : i32, i32
  }
}

</mosaic_0001>

<sc_bundles>
// kernel: kernel.10.cloned.1.call-start
scs
__scs_entry_jumppad:
0x0: {  	(pc) =	sbr.rel $0x88, $3  }
0x1: {  	(tag) =	ssettag $0x0;
	lr =	simm.s32 $0x1  }
0x2: {  	[smem:$0x3F96] =	sst lr;
	_ =	strace $0xD0000000  }
0x3: {  	_ = 	snop  }
0x4: {  	_ = 	snop  }
0x5: {  	_ = 	snop  }
0x6: {  	_ = 	snop  }
0x7: {  	_ = 	snop  }
__scs_overlays_trampoline_lowered:
0x8: {  	[smem:$0x3FA5] =	sst s0  }
0x9: {  	[smem:$0x3FA6] =	sst s1  }
0xa: {  	[smem:$0x3FA7] =	sst s2  }
0xb: {  	[smem:$0x3FA8] =	sst s3  }
0xc: {  	[smem:$0x3FA9] =	sst s4  }
0xd: {  	[smem:$0x3FAA] =	sst s5  }
0xe: {  	[smem:$0x3FAB] =	sst s6  }
0xf: {  	[smem:$0x3FAC] =	sst s7  }
0x10: {  	[smem:$0x3FAD] =	sst s8  }
0x11: {  	[smem:$0x3FAE] =	sst s9;
	s0 =	simm.s32 @!p0 $0x0  }
0x12: {  	s1 =	sld [smem:$0x3F94];
	s0 =	simm.s32 @p0 $0x1  }
0x13: {  	[smem:$0x3FAF] =	sst s0;
	s0 =	simm.s32 @!p1 $0x0  }
0x14: {  	s2 =	sld [smem:$0x3F93];
	s0 =	simm.s32 @p1 $0x1  }
0x15: {  	[smem:$0x3FB0] =	sst s0;
	s0 =	simm.s32 @!p2 $0x0  }
0x16: {  	s3 =	sld [smem:$0x3FDB];
	s0 =	simm.s32 @p2 $0x1  }
0x17: {  	s4 =	simm.s32 $0x1BF5;
	[smem:$0x3FB2] =	sst s0  }
0x18: {  	s0 =	sld [smem:$0x3F95];
	_ =	swait.ge [sflag:s4], $0x0  }
0x19: {  	s7 =	sld [smem:$0x3F96]  }
0x1a: {  	s8 =	sadd.s32 $0xFFFFE003, lr  }
0x1b: {  	s9 =	sadd.s32 $0xFFFFFEF7, lr;
	s5 =	simm.s32 $0xFFFFFFFF;
	p2 =	slt.u32 s8, $0xFFFFF086  }
0x1c: {  	p1 =	slt.u32 s9, $0xF7A;
	s5 =	simm.s32 @!p2 $0x0  }
0x1d: {  	s5 =	simm.s32 @p1 $0x1;
	p0 =	seq.s32 s7, s2  }
0x1e: {  	s7 =	smul.u32 @!p0 $0xF7A, s2;
	p2 =	seq.s32 @!p0 s5, $0x0  }
0x1f: {  	s9 =	smul.u32 $0xF7A, s1;
	s8 =	simm.s32 @!p0 $0x1BF5;
	p2 =	por !p2, p0  }
0x20: {  	[sflag:s8] =	ssyncset.s32 @!p0 $0xFFFFF086;
	s6 =	sadd.s32 @!p0 s3, s7;
	s7 =	simm.s32 @!p0 $0x108  }
0x21: {  	s3 =	sadd.s32 s3, s9;
	s6 =	sadd.s32 @!p0 $0x88, s6;
	s7 =	simm.s32 @p2 $0x1082  }
0x22: {  	[simem:s7], [sflag:s8] =	dma.local @!p0 [hbm:s6], $0xF7A  }
0x23: {  	s9 =	sor.u32 $0xD0000000, s2;
	s6 =	simm.s32 $0x108;
	_ =	swait.ge @!p0 [sflag:s8], $0x0  }
0x24: {  	s3 =	sadd.s32 $0x88, s3;
	s6 =	simm.s32 @!p1 $0x1082;
	[sflag:s4] =	ssyncset.s32 $0xFFFFF086  }
0x25: {  	[simem:s6], [sflag:s4] =	dma.local [hbm:s3], $0xF7A  }
0x26: {  	[smem:$0x3F96] =	sst s1;
	(tag) =	ssettag s2;
	_ =	strace s9  }
0x27: {  	s1 =	sld [smem:$0x3FA6]  }
0x28: {  	s2 =	sld [smem:$0x3FA7]  }
0x29: {  	s4 =	sld [smem:$0x3FA9]  }
0x2a: {  	p0 =	seq.s32 s5, $0x0;
	s5 =	sld [smem:$0x3FAA]  }
0x2b: {  	s6 =	sld [smem:$0x3FAB]  }
0x2c: {  	s7 =	sld [smem:$0x3FAC]  }
0x2d: {  	s3 =	simm.s32 $0x108;
	s8 =	sld [smem:$0x3FAD]  }
0x2e: {  	s3 =	simm.s32 @!p0 $0x1082;
	s9 =	sld [smem:$0x3FAE]  }
0x2f: {  	lr =	sadd.s32 s0, s3;
	s0 =	sld [smem:$0x3FA5]  }
0x30: {  	s3 =	sld [smem:$0x3FA8]  }
0x31: {  	[smem:$0x3FB1] =	sst s10  }
0x32: {  	s10 =	sld [smem:$0x3FAF];
	_ =	sdelay $0x3  }
0x33: {  	p0 =	seq.s32 s10, $0x1;
	s10 =	sld [smem:$0x3FB1];
	_ =	sdelay $0x3  }
0x34: {  	[smem:$0x3FB1] =	sst s10  }
0x35: {  	s10 =	sld [smem:$0x3FB0];
	_ =	sdelay $0x3  }
0x36: {  	p1 =	seq.s32 s10, $0x1;
	s10 =	sld [smem:$0x3FB1];
	_ =	sdelay $0x3  }
0x37: {  	[smem:$0x3FB1] =	sst s10  }
0x38: {  	s10 =	sld [smem:$0x3FB2]  }
0x39: {  	_ = 	snop;
	(pc) =	sbr.ind lr, $3  }
0x3a: {  	_ = 	snop  }
0x3b: {  	_ = 	snop  }
0x3c: {  	p2 =	seq.s32 s10, $0x1;
	s10 =	sld [smem:$0x3FB1]  }
0x3d: {  	_ =	shalt  }
0x3e: {  	_ =	shalt  }
0x3f: {  	_ =	shalt  }
0x40: {  	_ =	shalt  }
0x41: {  	_ =	shalt  }
0x42: {  	_ =	shalt  }
0x43: {  	_ =	shalt  }
0x44: {  	_ =	shalt  }
0x45: {  	_ =	shalt  }
0x46: {  	_ =	shalt  }
0x47: {  	_ =	shalt  }
0x48: {  	_ =	shalt  }
0x49: {  	_ =	shalt  }
0x4a: {  	_ =	shalt  }
0x4b: {  	_ =	shalt  }
0x4c: {  	_ =	shalt  }
0x4d: {  	_ =	shalt  }
0x4e: {  	_ =	shalt  }
0x4f: {  	_ =	shalt  }
0x50: {  	_ =	shalt  }
0x51: {  	_ =	shalt  }
0x52: {  	_ =	shalt  }
0x53: {  	_ =	shalt  }
0x54: {  	_ =	shalt  }
0x55: {  	_ =	shalt  }
0x56: {  	_ =	shalt  }
0x57: {  	_ =	shalt  }
0x58: {  	_ =	shalt  }
0x59: {  	_ =	shalt  }
0x5a: {  	_ =	shalt  }
0x5b: {  	_ =	shalt  }
0x5c: {  	_ =	shalt  }
0x5d: {  	_ =	shalt  }
0x5e: {  	_ =	shalt  }
0x5f: {  	_ =	shalt  }
0x60: {  	_ =	shalt  }
0x61: {  	_ =	shalt  }
0x62: {  	_ =	shalt  }
0x63: {  	_ =	shalt  }
0x64: {  	_ =	shalt  }
0x65: {  	_ =	shalt  }
0x66: {  	_ =	shalt  }
0x67: {  	_ =	shalt  }
0x68: {  	_ =	shalt  }
0x69: {  	_ =	shalt  }
0x6a: {  	_ =	shalt  }
0x6b: {  	_ =	shalt  }
0x6c: {  	_ =	shalt  }
0x6d: {  	_ =	shalt  }
0x6e: {  	_ =	shalt  }
0x6f: {  	_ =	shalt  }
0x70: {  	_ =	shalt  }
0x71: {  	_ =	shalt  }
0x72: {  	_ =	shalt  }
0x73: {  	_ =	shalt  }
0x74: {  	_ =	shalt  }
0x75: {  	_ =	shalt  }
0x76: {  	_ =	shalt  }
0x77: {  	_ =	shalt  }
0x78: {  	_ =	shalt  }
0x79: {  	_ =	shalt  }
0x7a: {  	_ =	shalt  }
0x7b: {  	_ =	shalt  }
0x7c: {  	_ =	shalt  }
0x7d: {  	_ =	shalt  }
0x7e: {  	_ =	shalt  }
0x7f: {  	_ =	shalt  }
0x80: {  	_ =	shalt  }
0x81: {  	_ =	shalt  }
0x82: {  	_ =	shalt  }
0x83: {  	_ =	shalt  }
0x84: {  	_ =	shalt  }
0x85: {  	_ =	shalt  }
0x86: {  	_ =	shalt  }
0x87: {  	_ =	shalt  }
.Lfunc_end0:
.L_simem_size_0:
called_computation_lowered:
.L_overlay_start_0:
0x88: {  	s2 =	sld [smem:$0x3FD9]  }
0x89: {  	s3 =	sld [smem:$0x3FFE];
	_ =	sdelay $0x1  }
0x8a: {  	s1 =	srdreg.scid  }
0x8b: {  	s0 =	sand.u32 $0x1, s1  }
0x8c: {  	s16 =	sshll.u32 s0, $0xA;
	s2 =	sadd.s32 s3, s2  }
0x8d: {  	s2 =	sadd.s32 s2, s16  }
0x8e: {  	[smem:$0x3FBD] =	sst s2  }
0x8f: {  	_ = 	snop  }
0x90: {  	(tm) =	ssettm $0x1  }
0x91: {  	s17 =	sld [smem:$0x3FFB];
	_ =	sdelay $0x3  }
0x92: {  	_ =	strace s17  }
0x93: {  	s2 =	sld [smem:$0x3FFC];
	_ =	sdelay $0x3  }
0x94: {  	_ =	strace s2  }
0x95: {  	s2 =	sld [smem:$0x3FFD];
	_ =	sdelay $0x3  }
0x96: {  	_ =	strace s2  }
0x97: {  	_ =	strace $0x8FFFFFFF  }
0x98: {  	s18 =	sld [smem:$0x3FDB];
	_ =	sdelay $0x1  }
0x99: {  	s19 =	simm.s32 $_scs_section_size  }
0x9a: {  	s4 =	simm.s32 $_size__tile_overlayer_lowered;
	s5 =	simm.s32 $_tile_overlayer_lowered  }
0x9b: {  	s22 =	simm.s32 $0x1BFF;
	s21 =	sshll.u32 s5, $0x1;
	s2 =	sadd.s32 s19, s18  }
0x9c: {  	s6 =	simm.s32 $0x0;
	s20 =	sshll.u32 s4, $0x1;
	s4 =	sadd.s32 s21, s2  }
0x9d: {  	[timem:s6], [sflag:s22] =	dma.local [hbm:s4], s20  }
0x9e: {  	_ =	swait.ge [sflag:s22], s20  }
0x9f: {  	s3 =	ssub.s32 $0x0, s20;
	[sflag:s22] =	ssyncset.done $0x0  }
0xa0: {  	[sflag:s22] =	ssyncadd.s32 s3;
	_ =	sdelay $0x1  }
0xa1: {  	s23 =	simm.s32 $0x1B8B  }
0xa2: {  	_ =	swait.ge [sflag:s23], $0x1  }
0xa3: {  	[sflag:s23] =	ssyncset.done $0x0  }
0xa4: {  	s25 =	simm.s32 $0x1B8E;
	s24 =	sld [smem:$0x3FFE];
	[sflag:s23] =	ssyncadd.s32 $0xFFFFFFFF  }
0xa5: {  	s26 =	simm.s32 $execute0_lowered;
	[smem:$0x3FD2] =	sst s25  }
0xa6: {  	s4 =	sshll.u32 s26, $0x1;
	_ =	strace $0x80000046;
	[dreg:$0x1] =	wrdreg $0xFFFFFFFF  }
0xa7: {  	s28 =	simm.s32 $_size_execute0_lowered;
	s2 =	sadd.s32 s2, s4;
	[dreg:$0x0] =	wrdreg $0x0  }
0xa8: {  	s4 =	sshll.u32 s28, $0x1;
	[dreg:$0x2] =	wrdreg s2  }
0xa9: {  	[dreg:$0x3] =	wrdreg s4  }
0xaa: {  	[dreg:$0x4] =	wrdreg $0xC0  }
0xab: {  	_ =	task [dreg:s6], $0x5FFFF  }
0xac: {  	[dreg:$0x1] =	wrdreg $0xFFFFFFFF  }
0xad: {  	[dreg:$0x0] =	wrdreg $0x60  }
0xae: {  	[dreg:$0x2] =	wrdreg s24  }
0xaf: {  	[dreg:$0x3] =	wrdreg $0x68000  }
0xb0: {  	[dreg:$0x4] =	wrdreg $0x9  }
0xb1: {  	_ =	task.clear_ibuf [dreg:s6], $0x5FFFF;
	_ =	strace $0x90000046  }
0xb2: {  	s29 =	simm.s32 $0x9;
	_ =	strace $0x80000048  }
0xb3: {  	_ =	swait.ge [sflag:s29], $0x1  }
0xb4: {  	[sflag:s29] =	ssyncadd.s32 $0xFFFFFFFF  }
0xb5: {  	_ =	strace $0x90000048  }
0xb6: {  	_ =	sfence  }
0xb7: {  	s30 =	sld [smem:$0x0];
	_ =	sdelay $0x2  }
0xb8: {  	s31 =	sshll.u32 s1, $0xD;
	s1 =	sshrl.u32 s1, $0x2  }
0xb9: {  	s3 =	sand.u32 $0x4000, s31;
	s1 =	sadd.s32 s1, s30  }
0xba: {  	s0 =	sor.u32 s3, s0;
	s1 =	sshll.u32 s1, $0x11  }
0xbb: {  	s0 =	sor.u32 s1, s0  }
0xbc: {  	s0 =	sadd.s32 $0x8F2B, s0  }
0xbd: {  	[sflag:s0] =	ssyncadd.remote.s32 $0x1  }
0xbe: {  	_ =	sfence.sel $0xFFFF  }
0xbf: {  	[dreg:$0x0] =	wrdreg $0xFFFFFFFF;
	(pc) =	sbr.abs _section_cstart, $3  }
0xc0: {  	[dreg:$0x1] =	wrdreg $0xFFFFFFFF  }
0xc1: {  	_ =	task.clear_ibuf [dreg:s6], $0x2FFFF;
	_ =	strace $0x9FFFFFFF  }
0xc2: {  	(tm) =	ssettm $0x7FFFFFFF  }
0xc3: {  	_ =	shalt  }
tec
execute0_lowered:
.L_overlay_start_1:
0x0: {  	(tag) =	ssettag $0x1  }
0x1: {  	s1 =	srdreg.scid  }
0x2: {  	s0 =	stileid.u32;
	s7 =	rddreg [dreg:$0x0]  }
0x3: {  	s2 =	rddreg [dreg:$0x1];
	s3 =	simm.s32 $0x0;
	s13 =	simm.s32 $0x80  }
0x4: {  	s14 =	simm.s32 $0x0;
	s6 =	sand.u32 $0x1, s1;
	s8 =	smul.u32 $0x14000, s0  }
0x5: {  	s30 =	sshll.u32 s0, $0x1;
	[smem:$0x7FF] =	sst s3;
	s10 =	smul.u32 $0x50000, s0  }
0x6: {  	s11 =	sshll.u32 s0, $0x6;
	s1 =	sor.u32 s6, s30;
	s5 =	smul.u32 $0x140000, s6  }
0x7: {  	s6 =	ssub.s32 $0x2, s6;
	s11 =	sor.u32 $0x1C01, s11;
	s4 =	smul.u32 $0x500, s1  }
0x8: {  	s1 =	rddreg [dreg:$0x2];
	_ =	strace $0x80000047;
	s31 =	sshrl.u32 s6, $0x1  }
0x9: {  	s10 =	sshrl.u32 s10, $0x2;
	s8 =	sadd.s32 s8, s5;
	s5 =	sadd.s32 $0xDA00, s7  }
0xa: {  	s12 =	sadd.s32 s10, s2;
	s10 =	simm.s32 $0x1;
	s9 =	sadd.s32 s4, s7  }
0xb: {  	s4 =	sadd.s32 $0xD200, s7;
	s8 =	sshrl.u32 s8, $0x3;
	s12 =	sshrl.u32 s12, $0x3  }
0xc: {  	s7 =	sadd.s32 s8, s7;
	s8 =	ssub.s32 s6, s31;
	s6 =	sadd.s32 $0x3200, s9  }
0xd: {  	s9 =	simm.s32 $0x2800;
	s7 =	sadd.s32 $0x10200, s7;
	s8 =	smax.u32 s8, $0x1  }
.LBB2_1:
0xe: {  	[tilespmem:s9], [sflag:$0x1] =	stream.linear.gather [hbm4b:s4+s3], $0x4000, $0x38;
	[tilespmem:$0x1A800] =	vst v63  }
0xf: {  	_ =	swait.ge [sflag:s10], $0x4000  }
0x10: {  	[sflag:s10] =	ssyncset.done $0x0  }
0x11: {  	[sflag:s10] =	ssyncadd.s32 $0xFFFFC000  }
0x12: {  	[tilespmem:s3], [sflag:$0x1] =	stream.linear.gather [hbm4b:s6+s3], $0x2800, $0x38;
	[tilespmem:$0x1A800] =	vst v63  }
0x13: {  	_ =	swait.ge [sflag:s10], $0x2800  }
0x14: {  	[sflag:s10] =	ssyncset.done $0x0  }
0x15: {  	[sflag:s10] =	ssyncadd.s32 $0xFFFFD800  }
0x16: {  	[spmem:s12], [sflag:s11] =	dma.local [hbm:s5], $0x2800  }
0x17: {  	_ =	swait.ge [sflag:s10], $0x2800  }
0x18: {  	[sflag:s10] =	ssyncset.done $0x0  }
0x19: {  	[sflag:s10] =	ssyncadd.s32 $0xFFFFD800  }
0x1a: {  	s15 =	simm.s32 $0x0;
	[bflag:$0x0] =	sbarrier.arrive $0xFFFF  }
0x1b: {  	[spmem:s2] =	stream.indirect.scatter.add.f32 [tilespmem:s9], [sflag:$0x1], $0x80, s15, s13, $0xb8;
	[tilespmem:$0x1A800] =	vst v63  }
0x1c: {  	_ =	swait.ge [sflag:s10], $0x4000  }
0x1d: {  	s15 =	simm.s32 $0x200;
	[sflag:s10] =	ssyncset.done $0x0  }
.LBB2_2:
0x1e: {  	s16 =	sshra.s32 s15, $0x2;
	[sflag:s10] =	ssyncadd.s32 $0xFFFFC000;
	p0 =	sne.s32 s15, $0x9E00  }
0x1f: {  	[spmem:s2] =	stream.indirect.scatter.add.f32 [tilespmem:s9], [sflag:$0x1], $0x80, s16, s13, $0xb8;
	[tilespmem:$0x1A800] =	vst v63  }
.Ltmp0:
0x20: {  	_ = 	snop;
	(pc) =	sbr.rel @p0 .LBB2_2-.Ltmp0, $4  }
0x21: {  	_ = 	snop  }
0x22: {  	s15 =	sadd.s32 $0x200, s15  }
0x23: {  	_ =	swait.ge [sflag:s10], $0x4000  }
0x24: {  	[sflag:s10] =	ssyncset.done $0x0  }
0x25: {  	s14 =	sadd.s32 $0x1, s14  }
0x26: {  	[sflag:s10] =	ssyncadd.s32 $0xFFFFC000;
	p0 =	sne.s32 s14, s8  }
.Ltmp1:
0x27: {  	[bflag:$0x0] =	sbarrier.arrive $0xFFFF;
	(pc) =	sbr.rel @p0 .LBB2_1-.Ltmp1, $4  }
0x28: {  	[hbm:s7], [sflag:s11] =	dma.local [spmem:s12], $0x2800  }
0x29: {  	_ =	swait.ge [sflag:s10], $0x2800  }
0x2a: {  	[sflag:s10] =	ssyncset.done $0x0  }
0x2b: {  	[sflag:s10] =	ssyncadd.s32 $0xFFFFD800  }
0x2c: {  	_ =	sfence.sel $0x180000  }
0x2d: {  	[bflag:$0x0] =	sbarrier.arrive $0xFFFF  }
0x2e: {  	p0 =	sne.s32 s0, $0x0;
	_ =	strace $0x90000047  }
0x2f: {  	s0 =	sadd.s32 @!p0 $0x100000, s1;
	[bflag:$0x2] =	sbarrier.arrive $0xFFFF  }
0x30: {  	[sflag:s0] =	ssyncadd.tile.s32 @!p0 $0x1;
	_ =	shalt  }
.Lfunc_end2:
_tile_overlayer_lowered:
.L_overlay_start_2:
0x31: {  	(tag) =	ssettag $0x2  }
0x32: {  	s0 =	rddreg [dreg:$0x0];
	s2 =	stileid.u32  }
0x33: {  	s1 =	rddreg [dreg:$0x1];
	p0 =	sne.s32 s2, $0x0  }
0x34: {  	s3 =	rddreg [dreg:$0x2];
	[bflag:$0x3] =	sbarrier.arrive $0xFFFF;
	s2 =	simm.s32 @!p0 $0x1C01  }
0x35: {  	[timem:s3], [sflag:s2] =	dma.local @!p0 [hbm:s0], s1  }
0x36: {  	s0 =	simm.s32 @!p0 $0x1  }
0x37: {  	_ =	swait.ge @!p0 [sflag:s0], s1  }
0x38: {  	s1 =	ssub.s32 @!p0 $0x0, s1;
	[sflag:s0] =	ssyncset.done @!p0 $0x0  }
0x39: {  	[sflag:s0] =	ssyncadd.s32 @!p0 s1  }
0x3a: {  	[bflag:$0x3] =	sbarrier.arrive $0xFFFF  }
0x3b: {  	_ =	shalt  }

// kernel: kernel.13.cloned.1.call-start
scs
__scs_entry_jumppad:
0x0: {  	(pc) =	sbr.rel $0x88, $3  }
0x1: {  	(tag) =	ssettag $0x0;
	lr =	simm.s32 $0x1  }
0x2: {  	[smem:$0x3F96] =	sst lr;
	_ =	strace $0xD0000000  }
0x3: {  	_ = 	snop  }
0x4: {  	_ = 	snop  }
0x5: {  	_ = 	snop  }
0x6: {  	_ = 	snop  }
0x7: {  	_ = 	snop  }
__scs_overlays_trampoline_lowered:
0x8: {  	[smem:$0x3FA5] =	sst s0  }
0x9: {  	[smem:$0x3FA6] =	sst s1  }
0xa: {  	[smem:$0x3FA7] =	sst s2  }
0xb: {  	[smem:$0x3FA8] =	sst s3  }
0xc: {  	[smem:$0x3FA9] =	sst s4  }
0xd: {  	[smem:$0x3FAA] =	sst s5  }
0xe: {  	[smem:$0x3FAB] =	sst s6  }
0xf: {  	[smem:$0x3FAC] =	sst s7  }
0x10: {  	[smem:$0x3FAD] =	sst s8  }
0x11: {  	[smem:$0x3FAE] =	sst s9;
	s0 =	simm.s32 @!p0 $0x0  }
0x12: {  	s1 =	sld [smem:$0x3F94];
	s0 =	simm.s32 @p0 $0x1  }
0x13: {  	[smem:$0x3FAF] =	sst s0;
	s0 =	simm.s32 @!p1 $0x0  }
0x14: {  	s2 =	sld [smem:$0x3F93];
	s0 =	simm.s32 @p1 $0x1  }
0x15: {  	[smem:$0x3FB0] =	sst s0;
	s0 =	simm.s32 @!p2 $0x0  }
0x16: {  	s3 =	sld [smem:$0x3FDB];
	s0 =	simm.s32 @p2 $0x1  }
0x17: {  	s4 =	simm.s32 $0x1BF5;
	[smem:$0x3FB2] =	sst s0  }
0x18: {  	s0 =	sld [smem:$0x3F95];
	_ =	swait.ge [sflag:s4], $0x0  }
0x19: {  	s7 =	sld [smem:$0x3F96]  }
0x1a: {  	s8 =	sadd.s32 $0xFFFFE003, lr  }
0x1b: {  	s9 =	sadd.s32 $0xFFFFFEF7, lr;
	s5 =	simm.s32 $0xFFFFFFFF;
	p2 =	slt.u32 s8, $0xFFFFF086  }
0x1c: {  	p1 =	slt.u32 s9, $0xF7A;
	s5 =	simm.s32 @!p2 $0x0  }
0x1d: {  	s5 =	simm.s32 @p1 $0x1;
	p0 =	seq.s32 s7, s2  }
0x1e: {  	s7 =	smul.u32 @!p0 $0xF7A, s2;
	p2 =	seq.s32 @!p0 s5, $0x0  }
0x1f: {  	s9 =	smul.u32 $0xF7A, s1;
	s8 =	simm.s32 @!p0 $0x1BF5;
	p2 =	por !p2, p0  }
0x20: {  	[sflag:s8] =	ssyncset.s32 @!p0 $0xFFFFF086;
	s6 =	sadd.s32 @!p0 s3, s7;
	s7 =	simm.s32 @!p0 $0x108  }
0x21: {  	s3 =	sadd.s32 s3, s9;
	s6 =	sadd.s32 @!p0 $0x88, s6;
	s7 =	simm.s32 @p2 $0x1082  }
0x22: {  	[simem:s7], [sflag:s8] =	dma.local @!p0 [hbm:s6], $0xF7A  }
0x23: {  	s9 =	sor.u32 $0xD0000000, s2;
	s6 =	simm.s32 $0x108;
	_ =	swait.ge @!p0 [sflag:s8], $0x0  }
0x24: {  	s3 =	sadd.s32 $0x88, s3;
	s6 =	simm.s32 @!p1 $0x1082;
	[sflag:s4] =	ssyncset.s32 $0xFFFFF086  }
0x25: {  	[simem:s6], [sflag:s4] =	dma.local [hbm:s3], $0xF7A  }
0x26: {  	[smem:$0x3F96] =	sst s1;
	(tag) =	ssettag s2;
	_ =	strace s9  }
0x27: {  	s1 =	sld [smem:$0x3FA6]  }
0x28: {  	s2 =	sld [smem:$0x3FA7]  }
0x29: {  	s4 =	sld [smem:$0x3FA9]  }
0x2a: {  	p0 =	seq.s32 s5, $0x0;
	s5 =	sld [smem:$0x3FAA]  }
0x2b: {  	s6 =	sld [smem:$0x3FAB]  }
0x2c: {  	s7 =	sld [smem:$0x3FAC]  }
0x2d: {  	s3 =	simm.s32 $0x108;
	s8 =	sld [smem:$0x3FAD]  }
0x2e: {  	s3 =	simm.s32 @!p0 $0x1082;
	s9 =	sld [smem:$0x3FAE]  }
0x2f: {  	lr =	sadd.s32 s0, s3;
	s0 =	sld [smem:$0x3FA5]  }
0x30: {  	s3 =	sld [smem:$0x3FA8]  }
0x31: {  	[smem:$0x3FB1] =	sst s10  }
0x32: {  	s10 =	sld [smem:$0x3FAF];
	_ =	sdelay $0x3  }
0x33: {  	p0 =	seq.s32 s10, $0x1;
	s10 =	sld [smem:$0x3FB1];
	_ =	sdelay $0x3  }
0x34: {  	[smem:$0x3FB1] =	sst s10  }
0x35: {  	s10 =	sld [smem:$0x3FB0];
	_ =	sdelay $0x3  }
0x36: {  	p1 =	seq.s32 s10, $0x1;
	s10 =	sld [smem:$0x3FB1];
	_ =	sdelay $0x3  }
0x37: {  	[smem:$0x3FB1] =	sst s10  }
0x38: {  	s10 =	sld [smem:$0x3FB2]  }
0x39: {  	_ = 	snop;
	(pc) =	sbr.ind lr, $3  }
0x3a: {  	_ = 	snop  }
0x3b: {  	_ = 	snop  }
0x3c: {  	p2 =	seq.s32 s10, $0x1;
	s10 =	sld [smem:$0x3FB1]  }
0x3d: {  	_ =	shalt  }
0x3e: {  	_ =	shalt  }
0x3f: {  	_ =	shalt  }
0x40: {  	_ =	shalt  }
0x41: {  	_ =	shalt  }
0x42: {  	_ =	shalt  }
0x43: {  	_ =	shalt  }
0x44: {  	_ =	shalt  }
0x45: {  	_ =	shalt  }
0x46: {  	_ =	shalt  }
0x47: {  	_ =	shalt  }
0x48: {  	_ =	shalt  }
0x49: {  	_ =	shalt  }
0x4a: {  	_ =	shalt  }
0x4b: {  	_ =	shalt  }
0x4c: {  	_ =	shalt  }
0x4d: {  	_ =	shalt  }
0x4e: {  	_ =	shalt  }
0x4f: {  	_ =	shalt  }
0x50: {  	_ =	shalt  }
0x51: {  	_ =	shalt  }
0x52: {  	_ =	shalt  }
0x53: {  	_ =	shalt  }
0x54: {  	_ =	shalt  }
0x55: {  	_ =	shalt  }
0x56: {  	_ =	shalt  }
0x57: {  	_ =	shalt  }
0x58: {  	_ =	shalt  }
0x59: {  	_ =	shalt  }
0x5a: {  	_ =	shalt  }
0x5b: {  	_ =	shalt  }
0x5c: {  	_ =	shalt  }
0x5d: {  	_ =	shalt  }
0x5e: {  	_ =	shalt  }
0x5f: {  	_ =	shalt  }
0x60: {  	_ =	shalt  }
0x61: {  	_ =	shalt  }
0x62: {  	_ =	shalt  }
0x63: {  	_ =	shalt  }
0x64: {  	_ =	shalt  }
0x65: {  	_ =	shalt  }
0x66: {  	_ =	shalt  }
0x67: {  	_ =	shalt  }
0x68: {  	_ =	shalt  }
0x69: {  	_ =	shalt  }
0x6a: {  	_ =	shalt  }
0x6b: {  	_ =	shalt  }
0x6c: {  	_ =	shalt  }
0x6d: {  	_ =	shalt  }
0x6e: {  	_ =	shalt  }
0x6f: {  	_ =	shalt  }
0x70: {  	_ =	shalt  }
0x71: {  	_ =	shalt  }
0x72: {  	_ =	shalt  }
0x73: {  	_ =	shalt  }
0x74: {  	_ =	shalt  }
0x75: {  	_ =	shalt  }
0x76: {  	_ =	shalt  }
0x77: {  	_ =	shalt  }
0x78: {  	_ =	shalt  }
0x79: {  	_ =	shalt  }
0x7a: {  	_ =	shalt  }
0x7b: {  	_ =	shalt  }
0x7c: {  	_ =	shalt  }
0x7d: {  	_ =	shalt  }
0x7e: {  	_ =	shalt  }
0x7f: {  	_ =	shalt  }
0x80: {  	_ =	shalt  }
0x81: {  	_ =	shalt  }
0x82: {  	_ =	shalt  }
0x83: {  	_ =	shalt  }
0x84: {  	_ =	shalt  }
0x85: {  	_ =	shalt  }
0x86: {  	_ =	shalt  }
0x87: {  	_ =	shalt  }
.Lfunc_end0:
.L_simem_size_0:
called_computation.1_lowered:
.L_overlay_start_0:
0x88: {  	s2 =	sld [smem:$0x3FD9]  }
0x89: {  	s3 =	sld [smem:$0x3FFE];
	_ =	sdelay $0x1  }
0x8a: {  	s1 =	srdreg.scid  }
0x8b: {  	s0 =	sand.u32 $0x1, s1  }
0x8c: {  	s16 =	sshll.u32 s0, $0xA;
	s2 =	sadd.s32 s3, s2  }
0x8d: {  	s2 =	sadd.s32 s2, s16  }
0x8e: {  	[smem:$0x3FBD] =	sst s2  }
0x8f: {  	_ = 	snop  }
0x90: {  	(tm) =	ssettm $0x1  }
0x91: {  	s17 =	sld [smem:$0x3FFB];
	_ =	sdelay $0x3  }
0x92: {  	_ =	strace s17  }
0x93: {  	s2 =	sld [smem:$0x3FFC];
	_ =	sdelay $0x3  }
0x94: {  	_ =	strace s2  }
0x95: {  	s2 =	sld [smem:$0x3FFD];
	_ =	sdelay $0x3  }
0x96: {  	_ =	strace s2  }
0x97: {  	_ =	strace $0x8FFFFFFF  }
0x98: {  	s18 =	sld [smem:$0x3FDB];
	_ =	sdelay $0x1  }
0x99: {  	s19 =	simm.s32 $_scs_section_size  }
0x9a: {  	s4 =	simm.s32 $_size__tile_overlayer_lowered;
	s5 =	simm.s32 $_tile_overlayer_lowered  }
0x9b: {  	s22 =	simm.s32 $0x1BFF;
	s21 =	sshll.u32 s5, $0x1;
	s2 =	sadd.s32 s19, s18  }
0x9c: {  	s6 =	simm.s32 $0x0;
	s20 =	sshll.u32 s4, $0x1;
	s4 =	sadd.s32 s21, s2  }
0x9d: {  	[timem:s6], [sflag:s22] =	dma.local [hbm:s4], s20  }
0x9e: {  	_ =	swait.ge [sflag:s22], s20  }
0x9f: {  	s3 =	ssub.s32 $0x0, s20;
	[sflag:s22] =	ssyncset.done $0x0  }
0xa0: {  	[sflag:s22] =	ssyncadd.s32 s3;
	_ =	sdelay $0x1  }
0xa1: {  	s23 =	simm.s32 $0x1B8B  }
0xa2: {  	_ =	swait.ge [sflag:s23], $0x1  }
0xa3: {  	[sflag:s23] =	ssyncset.done $0x0  }
0xa4: {  	s25 =	simm.s32 $0x1B8E;
	s24 =	sld [smem:$0x3FFE];
	[sflag:s23] =	ssyncadd.s32 $0xFFFFFFFF  }
0xa5: {  	s26 =	simm.s32 $execute0_lowered;
	[smem:$0x3FD2] =	sst s25  }
0xa6: {  	s4 =	sshll.u32 s26, $0x1;
	_ =	strace $0x80000049;
	[dreg:$0x1] =	wrdreg $0xFFFFFFFF  }
0xa7: {  	s28 =	simm.s32 $_size_execute0_lowered;
	s2 =	sadd.s32 s2, s4;
	[dreg:$0x0] =	wrdreg $0x0  }
0xa8: {  	s4 =	sshll.u32 s28, $0x1;
	[dreg:$0x2] =	wrdreg s2  }
0xa9: {  	[dreg:$0x3] =	wrdreg s4  }
0xaa: {  	[dreg:$0x4] =	wrdreg $0xC0  }
0xab: {  	_ =	task [dreg:s6], $0x5FFFF  }
0xac: {  	[dreg:$0x1] =	wrdreg $0xFFFFFFFF  }
0xad: {  	[dreg:$0x0] =	wrdreg $0x60  }
0xae: {  	[dreg:$0x2] =	wrdreg s24  }
0xaf: {  	[dreg:$0x3] =	wrdreg $0x90000  }
0xb0: {  	[dreg:$0x4] =	wrdreg $0x9  }
0xb1: {  	_ =	task.clear_ibuf [dreg:s6], $0x5FFFF;
	_ =	strace $0x90000049  }
0xb2: {  	s29 =	simm.s32 $0x9;
	_ =	strace $0x8000004B  }
0xb3: {  	_ =	swait.ge [sflag:s29], $0x1  }
0xb4: {  	[sflag:s29] =	ssyncadd.s32 $0xFFFFFFFF  }
0xb5: {  	_ =	strace $0x9000004B  }
0xb6: {  	_ =	sfence  }
0xb7: {  	s30 =	sld [smem:$0x0];
	_ =	sdelay $0x2  }
0xb8: {  	s31 =	sshll.u32 s1, $0xD;
	s1 =	sshrl.u32 s1, $0x2  }
0xb9: {  	s3 =	sand.u32 $0x4000, s31;
	s1 =	sadd.s32 s1, s30  }
0xba: {  	s0 =	sor.u32 s3, s0;
	s1 =	sshll.u32 s1, $0x11  }
0xbb: {  	s0 =	sor.u32 s1, s0  }
0xbc: {  	s0 =	sadd.s32 $0x8F2B, s0  }
0xbd: {  	[sflag:s0] =	ssyncadd.remote.s32 $0x1  }
0xbe: {  	_ =	sfence.sel $0xFFFF  }
0xbf: {  	[dreg:$0x0] =	wrdreg $0xFFFFFFFF;
	(pc) =	sbr.abs _section_cstart, $3  }
0xc0: {  	[dreg:$0x1] =	wrdreg $0xFFFFFFFF  }
0xc1: {  	_ =	task.clear_ibuf [dreg:s6], $0x2FFFF;
	_ =	strace $0x9FFFFFFF  }
0xc2: {  	(tm) =	ssettm $0x7FFFFFFF  }
0xc3: {  	_ =	shalt  }
tec
execute0_lowered:
.L_overlay_start_1:
0x0: {  	(tag) =	ssettag $0x1  }
0x1: {  	s1 =	srdreg.scid;
	s6 =	rddreg [dreg:$0x0]  }
0x2: {  	s0 =	stileid.u32;
	s2 =	rddreg [dreg:$0x1];
	s3 =	simm.s32 $0x0  }
0x3: {  	s11 =	simm.s32 $0x2800;
	s14 =	simm.s32 $0x80;
	s15 =	simm.s32 $0x5000  }
0x4: {  	s16 =	simm.s32 $0x0;
	s5 =	sand.u32 $0x1, s1;
	s29 =	sshll.u32 s0, $0x1  }
0x5: {  	[smem:$0x7FF] =	sst s3;
	s9 =	smul.u32 $0x14000, s0;
	s4 =	sadd.s32 $0x10200, s6  }
0x6: {  	s10 =	smul.u32 $0x50000, s0;
	s12 =	sshll.u32 s0, $0x6;
	s1 =	sor.u32 s5, s29  }
0x7: {  	s8 =	smul.u32 $0x140000, s5;
	s30 =	ssub.s32 $0x2, s5;
	s5 =	sadd.s32 $0xDA00, s6  }
0x8: {  	s12 =	sor.u32 $0x1C01, s12;
	s7 =	smul.u32 $0x500, s1;
	s1 =	rddreg [dreg:$0x2]  }
0x9: {  	_ =	strace $0x8000004A;
	s31 =	sshrl.u32 s30, $0x1;
	s10 =	sshrl.u32 s10, $0x2  }
0xa: {  	s8 =	sadd.s32 s9, s8;
	s9 =	ssub.s32 s30, s31;
	s13 =	sadd.s32 s10, s2  }
0xb: {  	s10 =	simm.s32 $0x1;
	s7 =	sadd.s32 s7, s6;
	s8 =	sshrl.u32 s8, $0x3  }
0xc: {  	s9 =	smax.u32 s9, $0x1;
	s13 =	sshrl.u32 s13, $0x3;
	s8 =	sadd.s32 s8, s6  }
0xd: {  	s6 =	sadd.s32 $0x60200, s7;
	s7 =	sadd.s32 $0x3200, s7;
	s8 =	sadd.s32 $0x6A200, s8  }
.LBB2_1:
0xe: {  	[tilespmem:s3], [sflag:$0x1] =	stream.linear.gather [hbm4b:s6+s3], $0x2800, $0x38;
	[tilespmem:$0x1D000] =	vst v63  }
0xf: {  	_ =	swait.ge [sflag:s10], $0x2800  }
0x10: {  	[sflag:s10] =	ssyncset.done $0x0  }
0x11: {  	[sflag:s10] =	ssyncadd.s32 $0xFFFFD800  }
0x12: {  	[tilespmem:s11], [sflag:$0x1] =	stream.linear.gather [hbm4b:s7+s3], $0x2800, $0x38;
	[tilespmem:$0x1D000] =	vst v63  }
0x13: {  	_ =	swait.ge [sflag:s10], $0x2800  }
0x14: {  	[sflag:s10] =	ssyncset.done $0x0  }
0x15: {  	[sflag:s10] =	ssyncadd.s32 $0xFFFFD800  }
0x16: {  	[spmem:s13], [sflag:s12] =	dma.local [hbm:s5], $0x2800  }
0x17: {  	_ =	swait.ge [sflag:s10], $0x2800  }
0x18: {  	[sflag:s10] =	ssyncset.done $0x0  }
0x19: {  	[sflag:s10] =	ssyncadd.s32 $0xFFFFD800  }
0x1a: {  	s17 =	simm.s32 $0x0;
	[bflag:$0x0] =	sbarrier.arrive $0xFFFF  }
0x1b: {  	[tilespmem:s15], [sflag:$0x1] =	stream.indirect.gather [hbm4b:s4+s14], $0x80, s17, s14, $0xb8;
	[tilespmem:$0x1D000] =	vst v63  }
0x1c: {  	_ =	swait.ge [sflag:s10], $0x4000  }
0x1d: {  	[sflag:s10] =	ssyncset.done $0x0  }
0x1e: {  	s31 =	simm.s32 $0x2800;
	[sflag:s10] =	ssyncadd.s32 $0xFFFFC000  }
0x1f: {  	[spmem:s2] =	stream.indirect.scatter.add.f32 [tilespmem:s15], [sflag:$0x1], $0x80, s31, s14, $0xb8;
	[tilespmem:$0x1D000] =	vst v63  }
0x20: {  	_ =	swait.ge [sflag:s10], $0x4000  }
0x21: {  	s18 =	simm.s32 $0x400;
	s17 =	simm.s32 $0x200;
	[sflag:s10] =	ssyncset.done $0x0  }
.LBB2_2:
0x22: {  	s19 =	sshra.s32 s17, $0x2  }
0x23: {  	[sflag:s10] =	ssyncadd.s32 $0xFFFFC000;
	s17 =	smov.u32 s18;
	s20 =	sadd.s32 $0x200, s18  }
0x24: {  	[tilespmem:s15], [sflag:$0x1] =	stream.indirect.gather [hbm4b:s4+s14], $0x80, s19, s14, $0xb8;
	[tilespmem:$0x1D000] =	vst v63  }
0x25: {  	p0 =	sne.s32 s18, $0x9E00;
	_ =	swait.ge [sflag:s10], $0x4000  }
.Ltmp0:
0x26: {  	[sflag:s10] =	ssyncset.done $0x0;
	(pc) =	sbr.rel @p0 .LBB2_2-.Ltmp0, $4  }
0x27: {  	s18 =	sadd.s32 $0x2800, s19;
	[sflag:s10] =	ssyncadd.s32 $0xFFFFC000  }
0x28: {  	[spmem:s2] =	stream.indirect.scatter.add.f32 [tilespmem:s15], [sflag:$0x1], $0x80, s18, s14, $0xb8;
	[tilespmem:$0x1D000] =	vst v63  }
0x29: {  	_ =	swait.ge [sflag:s10], $0x4000  }
0x2a: {  	s18 =	smov.u32 s20;
	[sflag:s10] =	ssyncset.done $0x0  }
0x2b: {  	s17 =	sshra.s32 s17, $0x2;
	[sflag:s10] =	ssyncadd.s32 $0xFFFFC000  }
0x2c: {  	[tilespmem:s15], [sflag:$0x1] =	stream.indirect.gather [hbm4b:s4+s14], $0x80, s17, s14, $0xb8;
	[tilespmem:$0x1D000] =	vst v63  }
0x2d: {  	_ =	swait.ge [sflag:s10], $0x4000  }
0x2e: {  	[sflag:s10] =	ssyncset.done $0x0  }
0x2f: {  	s17 =	sadd.s32 $0x2800, s17;
	[sflag:s10] =	ssyncadd.s32 $0xFFFFC000  }
0x30: {  	[spmem:s2] =	stream.indirect.scatter.add.f32 [tilespmem:s15], [sflag:$0x1], $0x80, s17, s14, $0xb8;
	[tilespmem:$0x1D000] =	vst v63  }
0x31: {  	_ =	swait.ge [sflag:s10], $0x4000  }
0x32: {  	s16 =	sadd.s32 $0x1, s16;
	[sflag:s10] =	ssyncset.done $0x0  }
0x33: {  	p0 =	sne.s32 s16, s9;
	[sflag:s10] =	ssyncadd.s32 $0xFFFFC000  }
.Ltmp1:
0x34: {  	[bflag:$0x0] =	sbarrier.arrive $0xFFFF;
	(pc) =	sbr.rel @p0 .LBB2_1-.Ltmp1, $4  }
0x35: {  	[hbm:s8], [sflag:s12] =	dma.local [spmem:s13], $0x2800  }
0x36: {  	_ =	swait.ge [sflag:s10], $0x2800  }
0x37: {  	[sflag:s10] =	ssyncset.done $0x0  }
0x38: {  	[sflag:s10] =	ssyncadd.s32 $0xFFFFD800  }
0x39: {  	_ =	sfence.sel $0x180000  }
0x3a: {  	[bflag:$0x0] =	sbarrier.arrive $0xFFFF  }
0x3b: {  	p0 =	sne.s32 s0, $0x0;
	_ =	strace $0x9000004A  }
0x3c: {  	s0 =	sadd.s32 @!p0 $0x100000, s1;
	[bflag:$0x2] =	sbarrier.arrive $0xFFFF  }
0x3d: {  	[sflag:s0] =	ssyncadd.tile.s32 @!p0 $0x1;
	_ =	shalt  }
.Lfunc_end2:
_tile_overlayer_lowered:
.L_overlay_start_2:
0x3e: {  	(tag) =	ssettag $0x2  }
0x3f: {  	s0 =	rddreg [dreg:$0x0];
	s2 =	stileid.u32  }
0x40: {  	s1 =	rddreg [dreg:$0x1];
	p0 =	sne.s32 s2, $0x0  }
0x41: {  	s3 =	rddreg [dreg:$0x2];
	[bflag:$0x3] =	sbarrier.arrive $0xFFFF;
	s2 =	simm.s32 @!p0 $0x1C01  }
0x42: {  	[timem:s3], [sflag:s2] =	dma.local @!p0 [hbm:s0], s1  }
0x43: {  	s0 =	simm.s32 @!p0 $0x1  }
0x44: {  	_ =	swait.ge @!p0 [sflag:s0], s1  }
0x45: {  	s1 =	ssub.s32 @!p0 $0x0, s1;
	[sflag:s0] =	ssyncset.done @!p0 $0x0  }
0x46: {  	[sflag:s0] =	ssyncadd.s32 @!p0 s1  }
0x47: {  	[bflag:$0x3] =	sbarrier.arrive $0xFFFF  }
0x48: {  	_ =	shalt  }

// kernel: kernel.16.cloned.1.call-start
scs
__scs_entry_jumppad:
0x0: {  	(pc) =	sbr.rel $0x88, $3  }
0x1: {  	(tag) =	ssettag $0x0;
	lr =	simm.s32 $0x1  }
0x2: {  	[smem:$0x3F96] =	sst lr;
	_ =	strace $0xD0000000  }
0x3: {  	_ = 	snop  }
0x4: {  	_ = 	snop  }
0x5: {  	_ = 	snop  }
0x6: {  	_ = 	snop  }
0x7: {  	_ = 	snop  }
__scs_overlays_trampoline_lowered:
0x8: {  	[smem:$0x3FA5] =	sst s0  }
0x9: {  	[smem:$0x3FA6] =	sst s1  }
0xa: {  	[smem:$0x3FA7] =	sst s2  }
0xb: {  	[smem:$0x3FA8] =	sst s3  }
0xc: {  	[smem:$0x3FA9] =	sst s4  }
0xd: {  	[smem:$0x3FAA] =	sst s5  }
0xe: {  	[smem:$0x3FAB] =	sst s6  }
0xf: {  	[smem:$0x3FAC] =	sst s7  }
0x10: {  	[smem:$0x3FAD] =	sst s8  }
0x11: {  	[smem:$0x3FAE] =	sst s9;
	s0 =	simm.s32 @!p0 $0x0  }
0x12: {  	s1 =	sld [smem:$0x3F94];
	s0 =	simm.s32 @p0 $0x1  }
0x13: {  	[smem:$0x3FAF] =	sst s0;
	s0 =	simm.s32 @!p1 $0x0  }
0x14: {  	s2 =	sld [smem:$0x3F93];
	s0 =	simm.s32 @p1 $0x1  }
0x15: {  	[smem:$0x3FB0] =	sst s0;
	s0 =	simm.s32 @!p2 $0x0  }
0x16: {  	s3 =	sld [smem:$0x3FDB];
	s0 =	simm.s32 @p2 $0x1  }
0x17: {  	s4 =	simm.s32 $0x1BF5;
	[smem:$0x3FB2] =	sst s0  }
0x18: {  	s0 =	sld [smem:$0x3F95];
	_ =	swait.ge [sflag:s4], $0x0  }
0x19: {  	s7 =	sld [smem:$0x3F96]  }
0x1a: {  	s8 =	sadd.s32 $0xFFFFE003, lr  }
0x1b: {  	s9 =	sadd.s32 $0xFFFFFEF7, lr;
	s5 =	simm.s32 $0xFFFFFFFF;
	p2 =	slt.u32 s8, $0xFFFFF086  }
0x1c: {  	p1 =	slt.u32 s9, $0xF7A;
	s5 =	simm.s32 @!p2 $0x0  }
0x1d: {  	s5 =	simm.s32 @p1 $0x1;
	p0 =	seq.s32 s7, s2  }
0x1e: {  	s7 =	smul.u32 @!p0 $0xF7A, s2;
	p2 =	seq.s32 @!p0 s5, $0x0  }
0x1f: {  	s9 =	smul.u32 $0xF7A, s1;
	s8 =	simm.s32 @!p0 $0x1BF5;
	p2 =	por !p2, p0  }
0x20: {  	[sflag:s8] =	ssyncset.s32 @!p0 $0xFFFFF086;
	s6 =	sadd.s32 @!p0 s3, s7;
	s7 =	simm.s32 @!p0 $0x108  }
0x21: {  	s3 =	sadd.s32 s3, s9;
	s6 =	sadd.s32 @!p0 $0x88, s6;
	s7 =	simm.s32 @p2 $0x1082  }
0x22: {  	[simem:s7], [sflag:s8] =	dma.local @!p0 [hbm:s6], $0xF7A  }
0x23: {  	s9 =	sor.u32 $0xD0000000, s2;
	s6 =	simm.s32 $0x108;
	_ =	swait.ge @!p0 [sflag:s8], $0x0  }
0x24: {  	s3 =	sadd.s32 $0x88, s3;
	s6 =	simm.s32 @!p1 $0x1082;
	[sflag:s4] =	ssyncset.s32 $0xFFFFF086  }
0x25: {  	[simem:s6], [sflag:s4] =	dma.local [hbm:s3], $0xF7A  }
0x26: {  	[smem:$0x3F96] =	sst s1;
	(tag) =	ssettag s2;
	_ =	strace s9  }
0x27: {  	s1 =	sld [smem:$0x3FA6]  }
0x28: {  	s2 =	sld [smem:$0x3FA7]  }
0x29: {  	s4 =	sld [smem:$0x3FA9]  }
0x2a: {  	p0 =	seq.s32 s5, $0x0;
	s5 =	sld [smem:$0x3FAA]  }
0x2b: {  	s6 =	sld [smem:$0x3FAB]  }
0x2c: {  	s7 =	sld [smem:$0x3FAC]  }
0x2d: {  	s3 =	simm.s32 $0x108;
	s8 =	sld [smem:$0x3FAD]  }
0x2e: {  	s3 =	simm.s32 @!p0 $0x1082;
	s9 =	sld [smem:$0x3FAE]  }
0x2f: {  	lr =	sadd.s32 s0, s3;
	s0 =	sld [smem:$0x3FA5]  }
0x30: {  	s3 =	sld [smem:$0x3FA8]  }
0x31: {  	[smem:$0x3FB1] =	sst s10  }
0x32: {  	s10 =	sld [smem:$0x3FAF];
	_ =	sdelay $0x3  }
0x33: {  	p0 =	seq.s32 s10, $0x1;
	s10 =	sld [smem:$0x3FB1];
	_ =	sdelay $0x3  }
0x34: {  	[smem:$0x3FB1] =	sst s10  }
0x35: {  	s10 =	sld [smem:$0x3FB0];
	_ =	sdelay $0x3  }
0x36: {  	p1 =	seq.s32 s10, $0x1;
	s10 =	sld [smem:$0x3FB1];
	_ =	sdelay $0x3  }
0x37: {  	[smem:$0x3FB1] =	sst s10  }
0x38: {  	s10 =	sld [smem:$0x3FB2]  }
0x39: {  	_ = 	snop;
	(pc) =	sbr.ind lr, $3  }
0x3a: {  	_ = 	snop  }
0x3b: {  	_ = 	snop  }
0x3c: {  	p2 =	seq.s32 s10, $0x1;
	s10 =	sld [smem:$0x3FB1]  }
0x3d: {  	_ =	shalt  }
0x3e: {  	_ =	shalt  }
0x3f: {  	_ =	shalt  }
0x40: {  	_ =	shalt  }
0x41: {  	_ =	shalt  }
0x42: {  	_ =	shalt  }
0x43: {  	_ =	shalt  }
0x44: {  	_ =	shalt  }
0x45: {  	_ =	shalt  }
0x46: {  	_ =	shalt  }
0x47: {  	_ =	shalt  }
0x48: {  	_ =	shalt  }
0x49: {  	_ =	shalt  }
0x4a: {  	_ =	shalt  }
0x4b: {  	_ =	shalt  }
0x4c: {  	_ =	shalt  }
0x4d: {  	_ =	shalt  }
0x4e: {  	_ =	shalt  }
0x4f: {  	_ =	shalt  }
0x50: {  	_ =	shalt  }
0x51: {  	_ =	shalt  }
0x52: {  	_ =	shalt  }
0x53: {  	_ =	shalt  }
0x54: {  	_ =	shalt  }
0x55: {  	_ =	shalt  }
0x56: {  	_ =	shalt  }
0x57: {  	_ =	shalt  }
0x58: {  	_ =	shalt  }
0x59: {  	_ =	shalt  }
0x5a: {  	_ =	shalt  }
0x5b: {  	_ =	shalt  }
0x5c: {  	_ =	shalt  }
0x5d: {  	_ =	shalt  }
0x5e: {  	_ =	shalt  }
0x5f: {  	_ =	shalt  }
0x60: {  	_ =	shalt  }
0x61: {  	_ =	shalt  }
0x62: {  	_ =	shalt  }
0x63: {  	_ =	shalt  }
0x64: {  	_ =	shalt  }
0x65: {  	_ =	shalt  }
0x66: {  	_ =	shalt  }
0x67: {  	_ =	shalt  }
0x68: {  	_ =	shalt  }
0x69: {  	_ =	shalt  }
0x6a: {  	_ =	shalt  }
0x6b: {  	_ =	shalt  }
0x6c: {  	_ =	shalt  }
0x6d: {  	_ =	shalt  }
0x6e: {  	_ =	shalt  }
0x6f: {  	_ =	shalt  }
0x70: {  	_ =	shalt  }
0x71: {  	_ =	shalt  }
0x72: {  	_ =	shalt  }
0x73: {  	_ =	shalt  }
0x74: {  	_ =	shalt  }
0x75: {  	_ =	shalt  }
0x76: {  	_ =	shalt  }
0x77: {  	_ =	shalt  }
0x78: {  	_ =	shalt  }
0x79: {  	_ =	shalt  }
0x7a: {  	_ =	shalt  }
0x7b: {  	_ =	shalt  }
0x7c: {  	_ =	shalt  }
0x7d: {  	_ =	shalt  }
0x7e: {  	_ =	shalt  }
0x7f: {  	_ =	shalt  }
0x80: {  	_ =	shalt  }
0x81: {  	_ =	shalt  }
0x82: {  	_ =	shalt  }
0x83: {  	_ =	shalt  }
0x84: {  	_ =	shalt  }
0x85: {  	_ =	shalt  }
0x86: {  	_ =	shalt  }
0x87: {  	_ =	shalt  }
.Lfunc_end0:
.L_simem_size_0:
called_computation.2_lowered:
.L_overlay_start_0:
0x88: {  	s2 =	sld [smem:$0x3FD9]  }
0x89: {  	s3 =	sld [smem:$0x3FFE];
	_ =	sdelay $0x1  }
0x8a: {  	s1 =	srdreg.scid  }
0x8b: {  	s0 =	sand.u32 $0x1, s1  }
0x8c: {  	s16 =	sshll.u32 s0, $0xA;
	s2 =	sadd.s32 s3, s2  }
0x8d: {  	s2 =	sadd.s32 s2, s16  }
0x8e: {  	[smem:$0x3FBD] =	sst s2  }
0x8f: {  	_ = 	snop  }
0x90: {  	(tm) =	ssettm $0x1  }
0x91: {  	s17 =	sld [smem:$0x3FFB];
	_ =	sdelay $0x3  }
0x92: {  	_ =	strace s17  }
0x93: {  	s2 =	sld [smem:$0x3FFC];
	_ =	sdelay $0x3  }
0x94: {  	_ =	strace s2  }
0x95: {  	s2 =	sld [smem:$0x3FFD];
	_ =	sdelay $0x3  }
0x96: {  	_ =	strace s2  }
0x97: {  	_ =	strace $0x8FFFFFFF  }
0x98: {  	s18 =	sld [smem:$0x3FDB];
	_ =	sdelay $0x1  }
0x99: {  	s19 =	simm.s32 $_scs_section_size  }
0x9a: {  	s4 =	simm.s32 $_size__tile_overlayer_lowered;
	s5 =	simm.s32 $_tile_overlayer_lowered  }
0x9b: {  	s22 =	simm.s32 $0x1BFF;
	s21 =	sshll.u32 s5, $0x1;
	s2 =	sadd.s32 s19, s18  }
0x9c: {  	s6 =	simm.s32 $0x0;
	s20 =	sshll.u32 s4, $0x1;
	s4 =	sadd.s32 s21, s2  }
0x9d: {  	[timem:s6], [sflag:s22] =	dma.local [hbm:s4], s20  }
0x9e: {  	_ =	swait.ge [sflag:s22], s20  }
0x9f: {  	s3 =	ssub.s32 $0x0, s20;
	[sflag:s22] =	ssyncset.done $0x0  }
0xa0: {  	[sflag:s22] =	ssyncadd.s32 s3;
	_ =	sdelay $0x1  }
0xa1: {  	s23 =	simm.s32 $0x1B8B  }
0xa2: {  	_ =	swait.ge [sflag:s23], $0x1  }
0xa3: {  	[sflag:s23] =	ssyncset.done $0x0  }
0xa4: {  	s25 =	simm.s32 $0x1B8E;
	s24 =	sld [smem:$0x3FFE];
	[sflag:s23] =	ssyncadd.s32 $0xFFFFFFFF  }
0xa5: {  	s26 =	simm.s32 $execute0_lowered;
	[smem:$0x3FD2] =	sst s25  }
0xa6: {  	s4 =	sshll.u32 s26, $0x1;
	_ =	strace $0x8000004C;
	[dreg:$0x1] =	wrdreg $0xFFFFFFFF  }
0xa7: {  	s28 =	simm.s32 $_size_execute0_lowered;
	s2 =	sadd.s32 s2, s4;
	[dreg:$0x0] =	wrdreg $0x0  }
0xa8: {  	s4 =	sshll.u32 s28, $0x1;
	[dreg:$0x2] =	wrdreg s2  }
0xa9: {  	[dreg:$0x3] =	wrdreg s4  }
0xaa: {  	[dreg:$0x4] =	wrdreg $0xC0  }
0xab: {  	_ =	task [dreg:s6], $0x5FFFF  }
0xac: {  	[dreg:$0x1] =	wrdreg $0xFFFFFFFF  }
0xad: {  	[dreg:$0x0] =	wrdreg $0x60  }
0xae: {  	[dreg:$0x2] =	wrdreg s24  }
0xaf: {  	[dreg:$0x3] =	wrdreg $0x90000  }
0xb0: {  	[dreg:$0x4] =	wrdreg $0x9  }
0xb1: {  	_ =	task.clear_ibuf [dreg:s6], $0x5FFFF;
	_ =	strace $0x9000004C  }
0xb2: {  	s29 =	simm.s32 $0x9;
	_ =	strace $0x8000004E  }
0xb3: {  	_ =	swait.ge [sflag:s29], $0x1  }
0xb4: {  	[sflag:s29] =	ssyncadd.s32 $0xFFFFFFFF  }
0xb5: {  	_ =	strace $0x9000004E  }
0xb6: {  	_ =	sfence  }
0xb7: {  	s30 =	sld [smem:$0x0];
	_ =	sdelay $0x2  }
0xb8: {  	s31 =	sshll.u32 s1, $0xD;
	s1 =	sshrl.u32 s1, $0x2  }
0xb9: {  	s3 =	sand.u32 $0x4000, s31;
	s1 =	sadd.s32 s1, s30  }
0xba: {  	s0 =	sor.u32 s3, s0;
	s1 =	sshll.u32 s1, $0x11  }
0xbb: {  	s0 =	sor.u32 s1, s0  }
0xbc: {  	s0 =	sadd.s32 $0x8F2B, s0  }
0xbd: {  	[sflag:s0] =	ssyncadd.remote.s32 $0x1  }
0xbe: {  	_ =	sfence.sel $0xFFFF  }
0xbf: {  	[dreg:$0x0] =	wrdreg $0xFFFFFFFF;
	(pc) =	sbr.abs _section_cstart, $3  }
0xc0: {  	[dreg:$0x1] =	wrdreg $0xFFFFFFFF  }
0xc1: {  	_ =	task.clear_ibuf [dreg:s6], $0x2FFFF;
	_ =	strace $0x9FFFFFFF  }
0xc2: {  	(tm) =	ssettm $0x7FFFFFFF  }
0xc3: {  	_ =	shalt  }
tec
execute0_lowered:
.L_overlay_start_1:
0x0: {  	(tag) =	ssettag $0x1  }
0x1: {  	s1 =	srdreg.scid;
	s6 =	rddreg [dreg:$0x0]  }
0x2: {  	s0 =	stileid.u32;
	s2 =	rddreg [dreg:$0x1];
	s3 =	simm.s32 $0x0  }
0x3: {  	s11 =	simm.s32 $0x2800;
	s14 =	simm.s32 $0x80;
	s15 =	simm.s32 $0x5000  }
0x4: {  	s16 =	simm.s32 $0x0;
	s5 =	sand.u32 $0x1, s1;
	s29 =	sshll.u32 s0, $0x1  }
0x5: {  	[smem:$0x7FF] =	sst s3;
	s9 =	smul.u32 $0x14000, s0;
	s4 =	sadd.s32 $0x10200, s6  }
0x6: {  	s10 =	smul.u32 $0x50000, s0;
	s12 =	sshll.u32 s0, $0x6;
	s1 =	sor.u32 s5, s29  }
0x7: {  	s8 =	smul.u32 $0x140000, s5;
	s30 =	ssub.s32 $0x2, s5;
	s5 =	sadd.s32 $0xDA00, s6  }
0x8: {  	s12 =	sor.u32 $0x1C01, s12;
	s7 =	smul.u32 $0x500, s1;
	s1 =	rddreg [dreg:$0x2]  }
0x9: {  	_ =	strace $0x8000004D;
	s31 =	sshrl.u32 s30, $0x1;
	s10 =	sshrl.u32 s10, $0x2  }
0xa: {  	s8 =	sadd.s32 s9, s8;
	s9 =	ssub.s32 s30, s31;
	s13 =	sadd.s32 s10, s2  }
0xb: {  	s10 =	simm.s32 $0x1;
	s7 =	sadd.s32 s7, s6;
	s8 =	sshrl.u32 s8, $0x3  }
0xc: {  	s9 =	smax.u32 s9, $0x1;
	s13 =	sshrl.u32 s13, $0x3;
	s8 =	sadd.s32 s8, s6  }
0xd: {  	s6 =	sadd.s32 $0x60200, s7;
	s7 =	sadd.s32 $0x3200, s7;
	s8 =	sadd.s32 $0x6A200, s8  }
.LBB2_1:
0xe: {  	[tilespmem:s3], [sflag:$0x1] =	stream.linear.gather [hbm4b:s6+s3], $0x2800, $0x38;
	[tilespmem:$0x1D000] =	vst v63  }
0xf: {  	_ =	swait.ge [sflag:s10], $0x2800  }
0x10: {  	[sflag:s10] =	ssyncset.done $0x0  }
0x11: {  	[sflag:s10] =	ssyncadd.s32 $0xFFFFD800  }
0x12: {  	[tilespmem:s11], [sflag:$0x1] =	stream.linear.gather [hbm4b:s7+s3], $0x2800, $0x38;
	[tilespmem:$0x1D000] =	vst v63  }
0x13: {  	_ =	swait.ge [sflag:s10], $0x2800  }
0x14: {  	[sflag:s10] =	ssyncset.done $0x0  }
0x15: {  	[sflag:s10] =	ssyncadd.s32 $0xFFFFD800  }
0x16: {  	[spmem:s13], [sflag:s12] =	dma.local [hbm:s5], $0x2800  }
0x17: {  	_ =	swait.ge [sflag:s10], $0x2800  }
0x18: {  	[sflag:s10] =	ssyncset.done $0x0  }
0x19: {  	[sflag:s10] =	ssyncadd.s32 $0xFFFFD800  }
0x1a: {  	s17 =	simm.s32 $0x0;
	[bflag:$0x0] =	sbarrier.arrive $0xFFFF  }
0x1b: {  	[tilespmem:s15], [sflag:$0x1] =	stream.indirect.gather [hbm4b:s4+s14], $0x80, s17, s14, $0xb8;
	[tilespmem:$0x1D000] =	vst v63  }
0x1c: {  	_ =	swait.ge [sflag:s10], $0x4000  }
0x1d: {  	[sflag:s10] =	ssyncset.done $0x0  }
0x1e: {  	s31 =	simm.s32 $0x2800;
	[sflag:s10] =	ssyncadd.s32 $0xFFFFC000  }
0x1f: {  	[spmem:s2] =	stream.indirect.scatter.add.f32 [tilespmem:s15], [sflag:$0x1], $0x80, s31, s14, $0xb8;
	[tilespmem:$0x1D000] =	vst v63  }
0x20: {  	_ =	swait.ge [sflag:s10], $0x4000  }
0x21: {  	s18 =	simm.s32 $0x400;
	s17 =	simm.s32 $0x200;
	[sflag:s10] =	ssyncset.done $0x0  }
.LBB2_2:
0x22: {  	s19 =	sshra.s32 s17, $0x2  }
0x23: {  	[sflag:s10] =	ssyncadd.s32 $0xFFFFC000;
	s17 =	smov.u32 s18;
	s20 =	sadd.s32 $0x200, s18  }
0x24: {  	[tilespmem:s15], [sflag:$0x1] =	stream.indirect.gather [hbm4b:s4+s14], $0x80, s19, s14, $0xb8;
	[tilespmem:$0x1D000] =	vst v63  }
0x25: {  	p0 =	sne.s32 s18, $0x9E00;
	_ =	swait.ge [sflag:s10], $0x4000  }
.Ltmp0:
0x26: {  	[sflag:s10] =	ssyncset.done $0x0;
	(pc) =	sbr.rel @p0 .LBB2_2-.Ltmp0, $4  }
0x27: {  	s18 =	sadd.s32 $0x2800, s19;
	[sflag:s10] =	ssyncadd.s32 $0xFFFFC000  }
0x28: {  	[spmem:s2] =	stream.indirect.scatter.add.f32 [tilespmem:s15], [sflag:$0x1], $0x80, s18, s14, $0xb8;
	[tilespmem:$0x1D000] =	vst v63  }
0x29: {  	_ =	swait.ge [sflag:s10], $0x4000  }
0x2a: {  	s18 =	smov.u32 s20;
	[sflag:s10] =	ssyncset.done $0x0  }
0x2b: {  	s17 =	sshra.s32 s17, $0x2;
	[sflag:s10] =	ssyncadd.s32 $0xFFFFC000  }
0x2c: {  	[tilespmem:s15], [sflag:$0x1] =	stream.indirect.gather [hbm4b:s4+s14], $0x80, s17, s14, $0xb8;
	[tilespmem:$0x1D000] =	vst v63  }
0x2d: {  	_ =	swait.ge [sflag:s10], $0x4000  }
0x2e: {  	[sflag:s10] =	ssyncset.done $0x0  }
0x2f: {  	s17 =	sadd.s32 $0x2800, s17;
	[sflag:s10] =	ssyncadd.s32 $0xFFFFC000  }
0x30: {  	[spmem:s2] =	stream.indirect.scatter.add.f32 [tilespmem:s15], [sflag:$0x1], $0x80, s17, s14, $0xb8;
	[tilespmem:$0x1D000] =	vst v63  }
0x31: {  	_ =	swait.ge [sflag:s10], $0x4000  }
0x32: {  	s16 =	sadd.s32 $0x1, s16;
	[sflag:s10] =	ssyncset.done $0x0  }
0x33: {  	p0 =	sne.s32 s16, s9;
	[sflag:s10] =	ssyncadd.s32 $0xFFFFC000  }
.Ltmp1:
0x34: {  	[bflag:$0x0] =	sbarrier.arrive $0xFFFF;
	(pc) =	sbr.rel @p0 .LBB2_1-.Ltmp1, $4  }
0x35: {  	[hbm:s8], [sflag:s12] =	dma.local [spmem:s13], $0x2800  }
0x36: {  	_ =	swait.ge [sflag:s10], $0x2800  }
0x37: {  	[sflag:s10] =	ssyncset.done $0x0  }
0x38: {  	[sflag:s10] =	ssyncadd.s32 $0xFFFFD800  }
0x39: {  	_ =	sfence.sel $0x180000  }
0x3a: {  	[bflag:$0x0] =	sbarrier.arrive $0xFFFF  }
0x3b: {  	p0 =	sne.s32 s0, $0x0;
	_ =	strace $0x9000004D  }
0x3c: {  	s0 =	sadd.s32 @!p0 $0x100000, s1;
	[bflag:$0x2] =	sbarrier.arrive $0xFFFF  }
0x3d: {  	[sflag:s0] =	ssyncadd.tile.s32 @!p0 $0x1;
	_ =	shalt  }
.Lfunc_end2:
_tile_overlayer_lowered:
.L_overlay_start_2:
0x3e: {  	(tag) =	ssettag $0x2  }
0x3f: {  	s0 =	rddreg [dreg:$0x0];
	s2 =	stileid.u32  }
0x40: {  	s1 =	rddreg [dreg:$0x1];
	p0 =	sne.s32 s2, $0x0  }
0x41: {  	s3 =	rddreg [dreg:$0x2];
	[bflag:$0x3] =	sbarrier.arrive $0xFFFF;
	s2 =	simm.s32 @!p0 $0x1C01  }
0x42: {  	[timem:s3], [sflag:s2] =	dma.local @!p0 [hbm:s0], s1  }
0x43: {  	s0 =	simm.s32 @!p0 $0x1  }
0x44: {  	_ =	swait.ge @!p0 [sflag:s0], s1  }
0x45: {  	s1 =	ssub.s32 @!p0 $0x0, s1;
	[sflag:s0] =	ssyncset.done @!p0 $0x0  }
0x46: {  	[sflag:s0] =	ssyncadd.s32 @!p0 s1  }
0x47: {  	[bflag:$0x3] =	sbarrier.arrive $0xFFFF  }
0x48: {  	_ =	shalt  }

</sc_bundles>
